<compile_context>
chip_gen: v7x
topology: tpu7x:2x2x1
jax: 0.10.2.dev20260603
libtpu: 0.0.44.dev20260713+nightly
codegen_flags: <defaults>
</compile_context>

<pallas_src>
import functools

import jax
import jax.numpy as jnp
from jax import lax
from jax.experimental import pallas as pl
from jax.experimental.pallas import tpu as pltpu
from jax.experimental.pallas import tpu_sc as plsc

N_NODES = 10000
IN_DIM = 128
HID_DIM = 16
OUT_DIM = 16
N_EDGES = 320000

NCORES = 2
NSUB = 16
NW = NCORES * NSUB
CHUNK = 128
JCH = 79
E_PER_W = CHUNK * JCH
E_PAD = NW * E_PER_W
N_ACC = 10112
ROWS_PER_TILE = N_ACC // NSUB


def _sc_mesh():
    return plsc.VectorSubcoreMesh(core_axis_name="c", subcore_axis_name="s")


def _fill_rows(ref, nrows, value):
    row = jnp.full((16,), value, jnp.float32)

    def body(i, carry):
        ref[i, :] = row
        return carry

    lax.fori_loop(0, nrows, body, 0)


def _zero_acc_slice(zero_v, acc, tid):
    _fill_rows(zero_v, 8, 0.0)

    def body(i, carry):
        pltpu.sync_copy(zero_v, acc.at[pl.ds(tid * ROWS_PER_TILE + i * 8, 8)])
        return carry

    lax.fori_loop(0, ROWS_PER_TILE // 8, body, 0)


@functools.partial(
    pl.kernel,
    out_type=jax.ShapeDtypeStruct((NCORES, N_ACC, 16), jnp.float32),
    mesh=_sc_mesh(),
    scratch_types=[
        pltpu.VMEM((JCH, CHUNK), jnp.int32),
        pltpu.VMEM((CHUNK, 16), jnp.float32),
        pltpu.VMEM((8, 16), jnp.float32),
        pltpu.VMEM_SHARED((N_ACC, 16), jnp.float32),
    ],
)
def _sc_hist(dst_hbm, out_hbm, dst_v, ones_v, zero_v, acc):
    cid = lax.axis_index("c")
    tid = lax.axis_index("s")
    wid = cid * NSUB + tid
    pltpu.sync_copy(dst_hbm.at[wid], dst_v)
    _fill_rows(ones_v, CHUNK, 1.0)
    _zero_acc_slice(zero_v, acc, tid)
    plsc.subcore_barrier()

    def body(j, carry):
        pltpu.sync_copy(ones_v, acc.at[dst_v.at[j]], add=True)
        return carry

    lax.fori_loop(0, JCH, body, 0)
    plsc.subcore_barrier()
    pltpu.sync_copy(
        acc.at[pl.ds(tid * ROWS_PER_TILE, ROWS_PER_TILE)],
        out_hbm.at[cid, pl.ds(tid * ROWS_PER_TILE, ROWS_PER_TILE)],
    )


@functools.partial(
    pl.kernel,
    out_type=jax.ShapeDtypeStruct((NCORES, N_ACC, 16), jnp.float32),
    mesh=_sc_mesh(),
    scratch_types=[
        pltpu.VMEM((JCH, CHUNK), jnp.int32),
        pltpu.VMEM((JCH, CHUNK), jnp.int32),
        pltpu.VMEM((CHUNK, 16), jnp.float32),
        pltpu.VMEM((8, 16), jnp.float32),
        pltpu.VMEM_SHARED((N_ACC, 16), jnp.float32),
        pltpu.VMEM_SHARED((N_NODES, 16), jnp.float32),
    ],
)
def _sc_agg(tbl_hbm, src_hbm, dst_hbm, out_hbm, src_v, dst_v, row_v, zero_v, acc,
            tbl_sp):
    cid = lax.axis_index("c")
    tid = lax.axis_index("s")
    wid = cid * NSUB + tid
    pltpu.sync_copy(src_hbm.at[wid], src_v)
    pltpu.sync_copy(dst_hbm.at[wid], dst_v)
    @pl.when(tid < NSUB - 1)
    def _():
        pltpu.sync_copy(
            tbl_hbm.at[pl.ds(tid * ROWS_PER_TILE, ROWS_PER_TILE)],
            tbl_sp.at[pl.ds(tid * ROWS_PER_TILE, ROWS_PER_TILE)],
        )

    TAIL = N_NODES - (NSUB - 1) * ROWS_PER_TILE

    @pl.when(tid == NSUB - 1)
    def _():
        pltpu.sync_copy(
            tbl_hbm.at[pl.ds((NSUB - 1) * ROWS_PER_TILE, TAIL)],
            tbl_sp.at[pl.ds((NSUB - 1) * ROWS_PER_TILE, TAIL)],
        )

    _zero_acc_slice(zero_v, acc, tid)
    plsc.subcore_barrier()

    def body(j, carry):
        pltpu.sync_copy(tbl_sp.at[src_v.at[j]], row_v)
        pltpu.sync_copy(row_v, acc.at[dst_v.at[j]], add=True)
        return carry

    lax.fori_loop(0, JCH, body, 0)
    plsc.subcore_barrier()
    pltpu.sync_copy(
        acc.at[pl.ds(tid * ROWS_PER_TILE, ROWS_PER_TILE)],
        out_hbm.at[cid, pl.ds(tid * ROWS_PER_TILE, ROWS_PER_TILE)],
    )


RB = 1000
GRID = N_NODES // RB


def _rowspec(width):
    return pl.BlockSpec((RB, width), lambda i: (i, 0))


def _dense1_body(p0_ref, p1_ref, x_ref, w_ref, g_ref, dis_ref):
    deg = p0_ref[...] + p1_ref[...] + 1.0
    dis = lax.rsqrt(deg)
    dis_ref[...] = dis
    h = jnp.dot(x_ref[...], w_ref[...], preferred_element_type=jnp.float32)
    g_ref[...] = h * dis


def _tc_dense1(p0, p1, x, W1):
    return pl.pallas_call(
        _dense1_body,
        grid=(GRID,),
        in_specs=[
            _rowspec(16), _rowspec(16), _rowspec(IN_DIM),
            pl.BlockSpec((IN_DIM, HID_DIM), lambda i: (0, 0)),
        ],
        out_specs=[_rowspec(HID_DIM), _rowspec(16)],
        out_shape=[
            jax.ShapeDtypeStruct((N_NODES, HID_DIM), jnp.float32),
            jax.ShapeDtypeStruct((N_NODES, 16), jnp.float32),
        ],
    )(p0, p1, x, W1)


def _dense2_body(p0_ref, p1_ref, g1_ref, dis_ref, b_ref, w_ref, g2_ref):
    dis = dis_ref[...]
    h = dis * (p0_ref[...] + p1_ref[...] + g1_ref[...]) + b_ref[...]
    h = jnp.maximum(h, 0.0)
    g2_ref[...] = jnp.dot(h, w_ref[...], preferred_element_type=jnp.float32) * dis


def _tc_dense2(p0, p1, g1, dis16, b1, W2):
    return pl.pallas_call(
        _dense2_body,
        grid=(GRID,),
        in_specs=[
            _rowspec(16), _rowspec(16), _rowspec(HID_DIM), _rowspec(16),
            pl.BlockSpec((1, 16), lambda i: (0, 0)),
            pl.BlockSpec((HID_DIM, OUT_DIM), lambda i: (0, 0)),
        ],
        out_specs=_rowspec(OUT_DIM),
        out_shape=jax.ShapeDtypeStruct((N_NODES, OUT_DIM), jnp.float32),
    )(p0, p1, g1, dis16, b1, W2)


def _dense3_body(q0_ref, q1_ref, g2_ref, dis_ref, b_ref, out_ref):
    out_ref[...] = (
        dis_ref[...] * (q0_ref[...] + q1_ref[...] + g2_ref[...]) + b_ref[...]
    )


def _tc_dense3(q0, q1, g2, dis16, b2):
    return pl.pallas_call(
        _dense3_body,
        grid=(GRID,),
        in_specs=[
            _rowspec(16), _rowspec(16), _rowspec(OUT_DIM), _rowspec(16),
            pl.BlockSpec((1, 16), lambda i: (0, 0)),
        ],
        out_specs=_rowspec(OUT_DIM),
        out_shape=jax.ShapeDtypeStruct((N_NODES, OUT_DIM), jnp.float32),
    )(q0, q1, g2, dis16, b2)


def kernel(x, edge_index, W1, b1, W2, b2):
    src = edge_index[0].astype(jnp.int32)
    dst = edge_index[1].astype(jnp.int32)
    pad = E_PAD - N_EDGES
    src_p = jnp.concatenate([src, jnp.zeros((pad,), jnp.int32)]).reshape(NW, JCH, CHUNK)
    dst_p = jnp.concatenate(
        [dst, jnp.full((pad,), N_NODES, jnp.int32)]
    ).reshape(NW, JCH, CHUNK)

    hp = _sc_hist(dst_p)
    g1, dis16 = _tc_dense1(hp[0, :N_NODES], hp[1, :N_NODES], x, W1)
    p = _sc_agg(g1, src_p, dst_p)
    g2 = _tc_dense2(
        p[0, :N_NODES], p[1, :N_NODES], g1, dis16, b1.reshape(1, 16), W2
    )
    q = _sc_agg(g2, src_p, dst_p)
    out = _tc_dense3(q[0, :N_NODES], q[1, :N_NODES], g2, dis16, b2.reshape(1, 16))
    return out

# --- scband reference (transcript-rebuilt; emitter-appended) ---
"""Pipeline reference for scband-gcn-90881507983627 (READ-ONLY COPY).

The authoritative reference and input builder live on the scoring server;
editing this copy changes nothing except your own understanding.
"""

import jax, jax.numpy as jnp
import numpy as np

N_NODES = 10000
IN_DIM = 128
HID_DIM = 16
OUT_DIM = 16
N_EDGES = 320000


def gcn_conv(x, src, dst, W, b, num_nodes):
    # PyG GCNConv: h = x @ W; add self-loops; symmetric normalization; scatter-add; + bias
    loop = jnp.arange(num_nodes, dtype=src.dtype)
    src_sl = jnp.concatenate([src, loop])
    dst_sl = jnp.concatenate([dst, loop])
    ones = jnp.ones_like(dst_sl, dtype=x.dtype)
    deg = jax.ops.segment_sum(ones, dst_sl, num_segments=num_nodes)
    deg_inv_sqrt = jnp.where(deg > 0, deg ** -0.5, 0.0)
    norm = deg_inv_sqrt[src_sl] * deg_inv_sqrt[dst_sl]
    h = x @ W
    msg = h[src_sl] * norm[:, None]
    out = jax.ops.segment_sum(msg, dst_sl, num_segments=num_nodes)
    return out + b


def setup_inputs(seed: int = 0) -> dict:
    key = jax.random.key(seed)
    k1, k2, k3, k4, k5, k6 = jax.random.split(key, 6)
    x = jax.random.normal(k1, (N_NODES, IN_DIM), dtype=jnp.float32)
    edge_index = jax.random.randint(k2, (2, N_EDGES), 0, N_NODES, dtype=jnp.int64)
    # Glorot-style init for GCNConv weights
    W1 = jax.random.normal(k3, (IN_DIM, HID_DIM), dtype=jnp.float32) * (1.0 / np.sqrt(IN_DIM))
    b1 = jnp.zeros((HID_DIM,), dtype=jnp.float32)
    W2 = jax.random.normal(k4, (HID_DIM, OUT_DIM), dtype=jnp.float32) * (1.0 / np.sqrt(HID_DIM))
    b2 = jnp.zeros((OUT_DIM,), dtype=jnp.float32)
    return {"x": x, "edge_index": edge_index, "W1": W1, "b1": b1, "W2": W2, "b2": b2}


def reference(x, edge_index, W1, b1, W2, b2):
    num_nodes = x.shape[0]
    src, dst = edge_index[0], edge_index[1]
    h = gcn_conv(x, src, dst, W1, b1, num_nodes)
    h = jax.nn.relu(h)
    out = gcn_conv(h, src, dst, W2, b2, num_nodes)
    return out

if __name__ == "__main__":
    import jax
    _d = setup_inputs()
    print(jax.jit(kernel)(*tuple(_d.values())))

</pallas_src>

<mosaic_0001>
#map = affine_map<(d0, d1) -> (0, 0, 0)>
module attributes {stable_mosaic.version = 14 : i64} {
  func.func @_sc_hist(%arg0: i32, %arg1: i32, %arg2: memref<32x79x128xi32, #tpu.memory_space<hbm>>, %arg3: memref<2x10112x16xf32, #tpu.memory_space<hbm>>, %arg4: memref<79x128xi32, #tpu.memory_space<vmem>>, %arg5: memref<128x16xf32, #tpu.memory_space<vmem>>, %arg6: memref<8x16xf32, #tpu.memory_space<vmem>>, %arg7: memref<10112x16xf32, #tpu.memory_space<vmem_shared>>) attributes {dimension_semantics = [#tpu.dimension_semantics<core_parallel>, #tpu.dimension_semantics<subcore_parallel>], iteration_bounds = array<i64: 2, 16>, scalar_prefetch = 0 : i64, scratch_operands = 4 : i64, tpu.core_type = #tpu.core_type<sc_vector_subcore>, window_params = [{transform_indices = #map}, {transform_indices = #map}]} {
    %mul3A = arith.constant 16 : i32
    %mul3A_0 = arith.muli %arg0, %mul3A : i32
    %add3A = arith.addi %mul3A_0, %arg1 : i32
    "tpu.region"() ({
      %run_scoped3A = tpu.sem_alloc : memref<!tpu.dma_semaphore, #tpu.memory_space<semaphore_mem>>
      %dma_start3A = arith.constant 0 : i32
      %dma_start3A_32 = arith.constant 0 : i32
      %dma_start3A_33 = tpu.memref_slice %arg2[%add3A, %dma_start3A, %dma_start3A_32] : memref<32x79x128xi32, #tpu.memory_space<hbm>> -> memref<1x79x128xi32, #tpu.memory_space<hbm>>
      %dma_start3A_34 = tpu.memref_squeeze %dma_start3A_33 : memref<1x79x128xi32, #tpu.memory_space<hbm>> -> memref<79x128xi32, #tpu.memory_space<hbm>>
      %dma_start3A_35 = arith.constant 0 : i32
      %dma_start3A_36 = arith.constant 0 : i32
      %dma_start3A_37 = tpu.memref_slice %arg2[%add3A, %dma_start3A_35, %dma_start3A_36] : memref<32x79x128xi32, #tpu.memory_space<hbm>> -> memref<1x79x128xi32, #tpu.memory_space<hbm>>
      %dma_start3A_38 = tpu.memref_squeeze %dma_start3A_37 : memref<1x79x128xi32, #tpu.memory_space<hbm>> -> memref<79x128xi32, #tpu.memory_space<hbm>>
      tpu.enqueue_dma source(%dma_start3A_38 : memref<79x128xi32, #tpu.memory_space<hbm>>) target(%arg4 : memref<79x128xi32, #tpu.memory_space<vmem>>) target_semaphore(%run_scoped3A : memref<!tpu.dma_semaphore, #tpu.memory_space<semaphore_mem>>)
      %dma_wait3A = arith.constant 0 : i32
      %dma_wait3A_39 = arith.constant 0 : i32
      %dma_wait3A_40 = tpu.memref_slice %arg2[%add3A, %dma_wait3A, %dma_wait3A_39] : memref<32x79x128xi32, #tpu.memory_space<hbm>> -> memref<1x79x128xi32, #tpu.memory_space<hbm>>
      %dma_wait3A_41 = tpu.memref_squeeze %dma_wait3A_40 : memref<1x79x128xi32, #tpu.memory_space<hbm>> -> memref<79x128xi32, #tpu.memory_space<hbm>>
      %dma_wait3A_42 = arith.constant 0 : i32
      %dma_wait3A_43 = arith.constant 0 : i32
      %dma_wait3A_44 = tpu.memref_slice %arg2[%add3A, %dma_wait3A_42, %dma_wait3A_43] : memref<32x79x128xi32, #tpu.memory_space<hbm>> -> memref<1x79x128xi32, #tpu.memory_space<hbm>>
      %dma_wait3A_45 = tpu.memref_squeeze %dma_wait3A_44 : memref<1x79x128xi32, #tpu.memory_space<hbm>> -> memref<79x128xi32, #tpu.memory_space<hbm>>
      tpu.wait_dma2 semaphore(%run_scoped3A : memref<!tpu.dma_semaphore, #tpu.memory_space<semaphore_mem>>) src(%dma_wait3A_45 : memref<79x128xi32, #tpu.memory_space<hbm>>) dst(%arg4 : memref<79x128xi32, #tpu.memory_space<vmem>>)
      tpu.yield
    }) : () -> ()
    %broadcast_in_dim3A = arith.constant 1.000000e+00 : f32
    %broadcast_in_dim3A_1 = vector.broadcast %broadcast_in_dim3A : f32 to vector<16xf32>
    %scan3A = arith.constant 0 : i32
    %scan3A_2 = arith.constant 0 : i32
    %scan3A_3 = arith.constant 128 : i32
    %scan3A_4 = arith.addi %scan3A_2, %scan3A_3 : i32
    %scan3A_5 = arith.constant 1 : i32
    scf.for %scan3A_32 = %scan3A_2 to %scan3A_4 step %scan3A_5  : i32 {
      %swap3A = arith.index_cast %scan3A_32 : i32 to index
      %swap3A_33 = arith.constant 0 : index
      %swap3A_34 = tpu.vector_load %arg5[%swap3A, %swap3A_33] {strides = array<i32>} : memref<128x16xf32, #tpu.memory_space<vmem>>, vector<1x16xf32>,
      %swap3A_35 = vector.shape_cast %swap3A_34 : vector<1x16xf32> to vector<16xf32>
      %swap3A_36 = vector.shape_cast %broadcast_in_dim3A_1 : vector<16xf32> to vector<1x16xf32>
      tpu.vector_store %arg5[%swap3A, %swap3A_33], %swap3A_36 {strides = array<i32>} : memref<128x16xf32, #tpu.memory_space<vmem>>, vector<1x16xf32>,
    }
    %scan3A_6 = arith.constant 128 : i32
    %broadcast_in_dim3A_7 = arith.constant 0.000000e+00 : f32
    %broadcast_in_dim3A_8 = vector.broadcast %broadcast_in_dim3A_7 : f32 to vector<16xf32>
    %scan3A_9 = arith.constant 0 : i32
    %scan3A_10 = arith.constant 0 : i32
    %scan3A_11 = arith.constant 8 : i32
    %scan3A_12 = arith.addi %scan3A_10, %scan3A_11 : i32
    %scan3A_13 = arith.constant 1 : i32
    scf.for %scan3A_32 = %scan3A_10 to %scan3A_12 step %scan3A_13  : i32 {
      %swap3A = arith.index_cast %scan3A_32 : i32 to index
      %swap3A_33 = arith.constant 0 : index
      %swap3A_34 = tpu.vector_load %arg6[%swap3A, %swap3A_33] {strides = array<i32>} : memref<8x16xf32, #tpu.memory_space<vmem>>, vector<1x16xf32>,
      %swap3A_35 = vector.shape_cast %swap3A_34 : vector<1x16xf32> to vector<16xf32>
      %swap3A_36 = vector.shape_cast %broadcast_in_dim3A_8 : vector<16xf32> to vector<1x16xf32>
      tpu.vector_store %arg6[%swap3A, %swap3A_33], %swap3A_36 {strides = array<i32>} : memref<8x16xf32, #tpu.memory_space<vmem>>, vector<1x16xf32>,
    }
    %scan3A_14 = arith.constant 8 : i32
    %scan3A_15 = arith.constant 0 : i32
    %scan3A_16 = arith.constant 0 : i32
    %scan3A_17 = arith.constant 79 : i32
    %scan3A_18 = arith.addi %scan3A_16, %scan3A_17 : i32
    %scan3A_19 = arith.constant 1 : i32
    scf.for %scan3A_32 = %scan3A_16 to %scan3A_18 step %scan3A_19  : i32 {
      %mul3A_33 = arith.constant 632 : i32
      %mul3A_34 = arith.muli %arg1, %mul3A_33 : i32
      %mul3A_35 = arith.constant 8 : i32
      %mul3A_36 = arith.muli %scan3A_32, %mul3A_35 : i32
      %add3A_37 = arith.addi %mul3A_34, %mul3A_36 : i32
      "tpu.region"() ({
        %run_scoped3A = tpu.sem_alloc : memref<!tpu.dma_semaphore, #tpu.memory_space<semaphore_mem>>
        %dma_start3A = arith.constant 0 : i32
        %dma_start3A_38 = tpu.memref_slice %arg7[%add3A_37, %dma_start3A] : memref<10112x16xf32, #tpu.memory_space<vmem_shared>> -> memref<8x16xf32, #tpu.memory_space<vmem_shared>>
        %dma_start3A_39 = arith.constant 0 : i32
        %dma_start3A_40 = tpu.memref_slice %arg7[%add3A_37, %dma_start3A_39] : memref<10112x16xf32, #tpu.memory_space<vmem_shared>> -> memref<8x16xf32, #tpu.memory_space<vmem_shared>>
        tpu.enqueue_dma source(%arg6 : memref<8x16xf32, #tpu.memory_space<vmem>>) target(%dma_start3A_40 : memref<8x16xf32, #tpu.memory_space<vmem_shared>>) target_semaphore(%run_scoped3A : memref<!tpu.dma_semaphore, #tpu.memory_space<semaphore_mem>>)
        %dma_wait3A = arith.constant 0 : i32
        %dma_wait3A_41 = tpu.memref_slice %arg7[%add3A_37, %dma_wait3A] : memref<10112x16xf32, #tpu.memory_space<vmem_shared>> -> memref<8x16xf32, #tpu.memory_space<vmem_shared>>
        %dma_wait3A_42 = arith.constant 0 : i32
        %dma_wait3A_43 = tpu.memref_slice %arg7[%add3A_37, %dma_wait3A_42] : memref<10112x16xf32, #tpu.memory_space<vmem_shared>> -> memref<8x16xf32, #tpu.memory_space<vmem_shared>>
        tpu.wait_dma2 semaphore(%run_scoped3A : memref<!tpu.dma_semaphore, #tpu.memory_space<semaphore_mem>>) src(%arg6 : memref<8x16xf32, #tpu.memory_space<vmem>>) dst(%dma_wait3A_43 : memref<8x16xf32, #tpu.memory_space<vmem_shared>>)
        tpu.yield
      }) : () -> ()
    }
    %scan3A_20 = arith.constant 79 : i32
    %barrier3A = arith.constant 0 : index
    tpu.barrier barrier_id(%barrier3A)
    %scan3A_21 = arith.constant 0 : i32
    %scan3A_22 = arith.constant 0 : i32
    %scan3A_23 = arith.constant 79 : i32
    %scan3A_24 = arith.addi %scan3A_22, %scan3A_23 : i32
    %scan3A_25 = arith.constant 1 : i32
    scf.for %scan3A_32 = %scan3A_22 to %scan3A_24 step %scan3A_25  : i32 {
      "tpu.region"() ({
        %run_scoped3A = tpu.sem_alloc : memref<!tpu.dma_semaphore, #tpu.memory_space<semaphore_mem>>
        %dma_start3A = arith.constant 0 : i32
        %dma_start3A_33 = tpu.memref_slice %arg4[%scan3A_32, %dma_start3A] : memref<79x128xi32, #tpu.memory_space<vmem>> -> memref<1x128xi32, #tpu.memory_space<vmem>>
        %dma_start3A_34 = tpu.memref_squeeze %dma_start3A_33 : memref<1x128xi32, #tpu.memory_space<vmem>> -> memref<128xi32, #tpu.memory_space<vmem>>
        %dma_start3A_35 = arith.constant 0 : i32
        %dma_start3A_36 = arith.constant 0 : i32
        %dma_start3A_37 = tpu.memref_slice %arg7[%dma_start3A_35, %dma_start3A_36] : memref<10112x16xf32, #tpu.memory_space<vmem_shared>> -> memref<10112x16xf32, #tpu.memory_space<vmem_shared>>
        tpu.enqueue_indirect_dma source(%arg5 : memref<128x16xf32, #tpu.memory_space<vmem>>) target(%dma_start3A_37 : memref<10112x16xf32, #tpu.memory_space<vmem_shared>>) offsets(%dma_start3A_34 : memref<128xi32, #tpu.memory_space<vmem>>) semaphore(%run_scoped3A : memref<!tpu.dma_semaphore, #tpu.memory_space<semaphore_mem>>) {add = true}
        %dma_wait3A = arith.constant 0 : i32
        %dma_wait3A_38 = tpu.memref_slice %arg4[%scan3A_32, %dma_wait3A] : memref<79x128xi32, #tpu.memory_space<vmem>> -> memref<1x128xi32, #tpu.memory_space<vmem>>
        %dma_wait3A_39 = tpu.memref_squeeze %dma_wait3A_38 : memref<1x128xi32, #tpu.memory_space<vmem>> -> memref<128xi32, #tpu.memory_space<vmem>>
        %dma_wait3A_40 = arith.constant 0 : i32
        %dma_wait3A_41 = arith.constant 0 : i32
        %dma_wait3A_42 = tpu.memref_slice %arg7[%dma_wait3A_40, %dma_wait3A_41] : memref<10112x16xf32, #tpu.memory_space<vmem_shared>> -> memref<10112x16xf32, #tpu.memory_space<vmem_shared>>
        tpu.wait_indirect_dma semaphore(%run_scoped3A : memref<!tpu.dma_semaphore, #tpu.memory_space<semaphore_mem>>) src(%arg5 : memref<128x16xf32, #tpu.memory_space<vmem>>) dst(%dma_wait3A_42 : memref<10112x16xf32, #tpu.memory_space<vmem_shared>>)
        tpu.yield
      }) : () -> ()
    }
    %scan3A_26 = arith.constant 79 : i32
    %barrier3A_27 = arith.constant 0 : index
    tpu.barrier barrier_id(%barrier3A_27)
    %mul3A_28 = arith.constant 632 : i32
    %mul3A_29 = arith.muli %arg1, %mul3A_28 : i32
    %mul3A_30 = arith.constant 632 : i32
    %mul3A_31 = arith.muli %arg1, %mul3A_30 : i32
    "tpu.region"() ({
      %run_scoped3A = tpu.sem_alloc : memref<!tpu.dma_semaphore, #tpu.memory_space<semaphore_mem>>
      %dma_start3A = arith.constant 0 : i32
      %dma_start3A_32 = tpu.memref_slice %arg3[%arg0, %mul3A_31, %dma_start3A] : memref<2x10112x16xf32, #tpu.memory_space<hbm>> -> memref<1x632x16xf32, #tpu.memory_space<hbm>>
      %dma_start3A_33 = tpu.memref_squeeze %dma_start3A_32 : memref<1x632x16xf32, #tpu.memory_space<hbm>> -> memref<632x16xf32, #tpu.memory_space<hbm>>
      %dma_start3A_34 = arith.constant 0 : i32
      %dma_start3A_35 = tpu.memref_slice %arg7[%mul3A_29, %dma_start3A_34] : memref<10112x16xf32, #tpu.memory_space<vmem_shared>> -> memref<632x16xf32, #tpu.memory_space<vmem_shared>>
      tpu.enqueue_dma source(%dma_start3A_35 : memref<632x16xf32, #tpu.memory_space<vmem_shared>>) target(%dma_start3A_33 : memref<632x16xf32, #tpu.memory_space<hbm>>) target_semaphore(%run_scoped3A : memref<!tpu.dma_semaphore, #tpu.memory_space<semaphore_mem>>)
      %dma_wait3A = arith.constant 0 : i32
      %dma_wait3A_36 = tpu.memref_slice %arg3[%arg0, %mul3A_31, %dma_wait3A] : memref<2x10112x16xf32, #tpu.memory_space<hbm>> -> memref<1x632x16xf32, #tpu.memory_space<hbm>>
      %dma_wait3A_37 = tpu.memref_squeeze %dma_wait3A_36 : memref<1x632x16xf32, #tpu.memory_space<hbm>> -> memref<632x16xf32, #tpu.memory_space<hbm>>
      %dma_wait3A_38 = arith.constant 0 : i32
      %dma_wait3A_39 = tpu.memref_slice %arg7[%mul3A_29, %dma_wait3A_38] : memref<10112x16xf32, #tpu.memory_space<vmem_shared>> -> memref<632x16xf32, #tpu.memory_space<vmem_shared>>
      tpu.wait_dma2 semaphore(%run_scoped3A : memref<!tpu.dma_semaphore, #tpu.memory_space<semaphore_mem>>) src(%dma_wait3A_39 : memref<632x16xf32, #tpu.memory_space<vmem_shared>>) dst(%dma_wait3A_37 : memref<632x16xf32, #tpu.memory_space<hbm>>)
      tpu.yield
    }) : () -> ()
    return
  }
}

#map = affine_map<(d0, d1) -> (0, 0)>
#map1 = affine_map<(d0, d1) -> (0, 0, 0)>
module attributes {stable_mosaic.version = 14 : i64} {
  func.func @_sc_agg(%arg0: i32, %arg1: i32, %arg2: memref<10000x16xf32, #tpu.memory_space<hbm>>, %arg3: memref<32x79x128xi32, #tpu.memory_space<hbm>>, %arg4: memref<32x79x128xi32, #tpu.memory_space<hbm>>, %arg5: memref<2x10112x16xf32, #tpu.memory_space<hbm>>, %arg6: memref<79x128xi32, #tpu.memory_space<vmem>>, %arg7: memref<79x128xi32, #tpu.memory_space<vmem>>, %arg8: memref<128x16xf32, #tpu.memory_space<vmem>>, %arg9: memref<8x16xf32, #tpu.memory_space<vmem>>, %arg10: memref<10112x16xf32, #tpu.memory_space<vmem_shared>>, %arg11: memref<10000x16xf32, #tpu.memory_space<vmem_shared>>) attributes {dimension_semantics = [#tpu.dimension_semantics<core_parallel>, #tpu.dimension_semantics<subcore_parallel>], iteration_bounds = array<i64: 2, 16>, scalar_prefetch = 0 : i64, scratch_operands = 6 : i64, tpu.core_type = #tpu.core_type<sc_vector_subcore>, window_params = [{transform_indices = #map}, {transform_indices = #map1}, {transform_indices = #map1}, {transform_indices = #map1}]} {
    %mul3A = arith.constant 16 : i32
    %mul3A_0 = arith.muli %arg0, %mul3A : i32
    %add3A = arith.addi %mul3A_0, %arg1 : i32
    "tpu.region"() ({
      %run_scoped3A = tpu.sem_alloc : memref<!tpu.dma_semaphore, #tpu.memory_space<semaphore_mem>>
      %dma_start3A = arith.constant 0 : i32
      %dma_start3A_30 = arith.constant 0 : i32
      %dma_start3A_31 = tpu.memref_slice %arg3[%add3A, %dma_start3A, %dma_start3A_30] : memref<32x79x128xi32, #tpu.memory_space<hbm>> -> memref<1x79x128xi32, #tpu.memory_space<hbm>>
      %dma_start3A_32 = tpu.memref_squeeze %dma_start3A_31 : memref<1x79x128xi32, #tpu.memory_space<hbm>> -> memref<79x128xi32, #tpu.memory_space<hbm>>
      %dma_start3A_33 = arith.constant 0 : i32
      %dma_start3A_34 = arith.constant 0 : i32
      %dma_start3A_35 = tpu.memref_slice %arg3[%add3A, %dma_start3A_33, %dma_start3A_34] : memref<32x79x128xi32, #tpu.memory_space<hbm>> -> memref<1x79x128xi32, #tpu.memory_space<hbm>>
      %dma_start3A_36 = tpu.memref_squeeze %dma_start3A_35 : memref<1x79x128xi32, #tpu.memory_space<hbm>> -> memref<79x128xi32, #tpu.memory_space<hbm>>
      tpu.enqueue_dma source(%dma_start3A_36 : memref<79x128xi32, #tpu.memory_space<hbm>>) target(%arg6 : memref<79x128xi32, #tpu.memory_space<vmem>>) target_semaphore(%run_scoped3A : memref<!tpu.dma_semaphore, #tpu.memory_space<semaphore_mem>>)
      %dma_wait3A = arith.constant 0 : i32
      %dma_wait3A_37 = arith.constant 0 : i32
      %dma_wait3A_38 = tpu.memref_slice %arg3[%add3A, %dma_wait3A, %dma_wait3A_37] : memref<32x79x128xi32, #tpu.memory_space<hbm>> -> memref<1x79x128xi32, #tpu.memory_space<hbm>>
      %dma_wait3A_39 = tpu.memref_squeeze %dma_wait3A_38 : memref<1x79x128xi32, #tpu.memory_space<hbm>> -> memref<79x128xi32, #tpu.memory_space<hbm>>
      %dma_wait3A_40 = arith.constant 0 : i32
      %dma_wait3A_41 = arith.constant 0 : i32
      %dma_wait3A_42 = tpu.memref_slice %arg3[%add3A, %dma_wait3A_40, %dma_wait3A_41] : memref<32x79x128xi32, #tpu.memory_space<hbm>> -> memref<1x79x128xi32, #tpu.memory_space<hbm>>
      %dma_wait3A_43 = tpu.memref_squeeze %dma_wait3A_42 : memref<1x79x128xi32, #tpu.memory_space<hbm>> -> memref<79x128xi32, #tpu.memory_space<hbm>>
      tpu.wait_dma2 semaphore(%run_scoped3A : memref<!tpu.dma_semaphore, #tpu.memory_space<semaphore_mem>>) src(%dma_wait3A_43 : memref<79x128xi32, #tpu.memory_space<hbm>>) dst(%arg6 : memref<79x128xi32, #tpu.memory_space<vmem>>)
      tpu.yield
    }) : () -> ()
    "tpu.region"() ({
      %run_scoped3A = tpu.sem_alloc : memref<!tpu.dma_semaphore, #tpu.memory_space<semaphore_mem>>
      %dma_start3A = arith.constant 0 : i32
      %dma_start3A_30 = arith.constant 0 : i32
      %dma_start3A_31 = tpu.memref_slice %arg4[%add3A, %dma_start3A, %dma_start3A_30] : memref<32x79x128xi32, #tpu.memory_space<hbm>> -> memref<1x79x128xi32, #tpu.memory_space<hbm>>
      %dma_start3A_32 = tpu.memref_squeeze %dma_start3A_31 : memref<1x79x128xi32, #tpu.memory_space<hbm>> -> memref<79x128xi32, #tpu.memory_space<hbm>>
      %dma_start3A_33 = arith.constant 0 : i32
      %dma_start3A_34 = arith.constant 0 : i32
      %dma_start3A_35 = tpu.memref_slice %arg4[%add3A, %dma_start3A_33, %dma_start3A_34] : memref<32x79x128xi32, #tpu.memory_space<hbm>> -> memref<1x79x128xi32, #tpu.memory_space<hbm>>
      %dma_start3A_36 = tpu.memref_squeeze %dma_start3A_35 : memref<1x79x128xi32, #tpu.memory_space<hbm>> -> memref<79x128xi32, #tpu.memory_space<hbm>>
      tpu.enqueue_dma source(%dma_start3A_36 : memref<79x128xi32, #tpu.memory_space<hbm>>) target(%arg7 : memref<79x128xi32, #tpu.memory_space<vmem>>) target_semaphore(%run_scoped3A : memref<!tpu.dma_semaphore, #tpu.memory_space<semaphore_mem>>)
      %dma_wait3A = arith.constant 0 : i32
      %dma_wait3A_37 = arith.constant 0 : i32
      %dma_wait3A_38 = tpu.memref_slice %arg4[%add3A, %dma_wait3A, %dma_wait3A_37] : memref<32x79x128xi32, #tpu.memory_space<hbm>> -> memref<1x79x128xi32, #tpu.memory_space<hbm>>
      %dma_wait3A_39 = tpu.memref_squeeze %dma_wait3A_38 : memref<1x79x128xi32, #tpu.memory_space<hbm>> -> memref<79x128xi32, #tpu.memory_space<hbm>>
      %dma_wait3A_40 = arith.constant 0 : i32
      %dma_wait3A_41 = arith.constant 0 : i32
      %dma_wait3A_42 = tpu.memref_slice %arg4[%add3A, %dma_wait3A_40, %dma_wait3A_41] : memref<32x79x128xi32, #tpu.memory_space<hbm>> -> memref<1x79x128xi32, #tpu.memory_space<hbm>>
      %dma_wait3A_43 = tpu.memref_squeeze %dma_wait3A_42 : memref<1x79x128xi32, #tpu.memory_space<hbm>> -> memref<79x128xi32, #tpu.memory_space<hbm>>
      tpu.wait_dma2 semaphore(%run_scoped3A : memref<!tpu.dma_semaphore, #tpu.memory_space<semaphore_mem>>) src(%dma_wait3A_43 : memref<79x128xi32, #tpu.memory_space<hbm>>) dst(%arg7 : memref<79x128xi32, #tpu.memory_space<vmem>>)
      tpu.yield
    }) : () -> ()
    %lt3A = arith.constant 15 : i32
    %lt3A_1 = arith.cmpi slt, %arg1, %lt3A : i32
    %convert_element_type3A = arith.extui %lt3A_1 : i1 to i32
    %cond3A = arith.constant 0 : i32
    %cond3A_2 = arith.cmpi ne, %convert_element_type3A, %cond3A : i32
    scf.if %cond3A_2 {
      %mul3A_30 = arith.constant 632 : i32
      %mul3A_31 = arith.muli %arg1, %mul3A_30 : i32
      %mul3A_32 = arith.constant 632 : i32
      %mul3A_33 = arith.muli %arg1, %mul3A_32 : i32
      "tpu.region"() ({
        %run_scoped3A = tpu.sem_alloc : memref<!tpu.dma_semaphore, #tpu.memory_space<semaphore_mem>>
        %dma_start3A = arith.constant 0 : i32
        %dma_start3A_34 = tpu.memref_slice %arg11[%mul3A_33, %dma_start3A] : memref<10000x16xf32, #tpu.memory_space<vmem_shared>> -> memref<632x16xf32, #tpu.memory_space<vmem_shared>>
        %dma_start3A_35 = arith.constant 0 : i32
        %dma_start3A_36 = tpu.memref_slice %arg2[%mul3A_31, %dma_start3A_35] : memref<10000x16xf32, #tpu.memory_space<hbm>> -> memref<632x16xf32, #tpu.memory_space<hbm>>
        tpu.enqueue_dma source(%dma_start3A_36 : memref<632x16xf32, #tpu.memory_space<hbm>>) target(%dma_start3A_34 : memref<632x16xf32, #tpu.memory_space<vmem_shared>>) target_semaphore(%run_scoped3A : memref<!tpu.dma_semaphore, #tpu.memory_space<semaphore_mem>>)
        %dma_wait3A = arith.constant 0 : i32
        %dma_wait3A_37 = tpu.memref_slice %arg11[%mul3A_33, %dma_wait3A] : memref<10000x16xf32, #tpu.memory_space<vmem_shared>> -> memref<632x16xf32, #tpu.memory_space<vmem_shared>>
        %dma_wait3A_38 = arith.constant 0 : i32
        %dma_wait3A_39 = tpu.memref_slice %arg2[%mul3A_31, %dma_wait3A_38] : memref<10000x16xf32, #tpu.memory_space<hbm>> -> memref<632x16xf32, #tpu.memory_space<hbm>>
        tpu.wait_dma2 semaphore(%run_scoped3A : memref<!tpu.dma_semaphore, #tpu.memory_space<semaphore_mem>>) src(%dma_wait3A_39 : memref<632x16xf32, #tpu.memory_space<hbm>>) dst(%dma_wait3A_37 : memref<632x16xf32, #tpu.memory_space<vmem_shared>>)
        tpu.yield
      }) : () -> ()
    } else {
    }
    %eq3A = arith.constant 15 : i32
    %eq3A_3 = arith.cmpi eq, %arg1, %eq3A : i32
    %convert_element_type3A_4 = arith.extui %eq3A_3 : i1 to i32
    %cond3A_5 = arith.constant 0 : i32
    %cond3A_6 = arith.cmpi ne, %convert_element_type3A_4, %cond3A_5 : i32
    scf.if %cond3A_6 {
      "tpu.region"() ({
        %run_scoped3A = tpu.sem_alloc : memref<!tpu.dma_semaphore, #tpu.memory_space<semaphore_mem>>
        %dma_start3A = arith.constant 9480 : i32
        %dma_start3A_30 = arith.constant 0 : i32
        %dma_start3A_31 = tpu.memref_slice %arg11[%dma_start3A, %dma_start3A_30] : memref<10000x16xf32, #tpu.memory_space<vmem_shared>> -> memref<520x16xf32, #tpu.memory_space<vmem_shared>>
        %dma_start3A_32 = arith.constant 9480 : i32
        %dma_start3A_33 = arith.constant 0 : i32
        %dma_start3A_34 = tpu.memref_slice %arg2[%dma_start3A_32, %dma_start3A_33] : memref<10000x16xf32, #tpu.memory_space<hbm>> -> memref<520x16xf32, #tpu.memory_space<hbm>>
        tpu.enqueue_dma source(%dma_start3A_34 : memref<520x16xf32, #tpu.memory_space<hbm>>) target(%dma_start3A_31 : memref<520x16xf32, #tpu.memory_space<vmem_shared>>) target_semaphore(%run_scoped3A : memref<!tpu.dma_semaphore, #tpu.memory_space<semaphore_mem>>)
        %dma_wait3A = arith.constant 9480 : i32
        %dma_wait3A_35 = arith.constant 0 : i32
        %dma_wait3A_36 = tpu.memref_slice %arg11[%dma_wait3A, %dma_wait3A_35] : memref<10000x16xf32, #tpu.memory_space<vmem_shared>> -> memref<520x16xf32, #tpu.memory_space<vmem_shared>>
        %dma_wait3A_37 = arith.constant 9480 : i32
        %dma_wait3A_38 = arith.constant 0 : i32
        %dma_wait3A_39 = tpu.memref_slice %arg2[%dma_wait3A_37, %dma_wait3A_38] : memref<10000x16xf32, #tpu.memory_space<hbm>> -> memref<520x16xf32, #tpu.memory_space<hbm>>
        tpu.wait_dma2 semaphore(%run_scoped3A : memref<!tpu.dma_semaphore, #tpu.memory_space<semaphore_mem>>) src(%dma_wait3A_39 : memref<520x16xf32, #tpu.memory_space<hbm>>) dst(%dma_wait3A_36 : memref<520x16xf32, #tpu.memory_space<vmem_shared>>)
        tpu.yield
      }) : () -> ()
    } else {
    }
    %broadcast_in_dim3A = arith.constant 0.000000e+00 : f32
    %broadcast_in_dim3A_7 = vector.broadcast %broadcast_in_dim3A : f32 to vector<16xf32>
    %scan3A = arith.constant 0 : i32
    %scan3A_8 = arith.constant 0 : i32
    %scan3A_9 = arith.constant 8 : i32
    %scan3A_10 = arith.addi %scan3A_8, %scan3A_9 : i32
    %scan3A_11 = arith.constant 1 : i32
    scf.for %scan3A_30 = %scan3A_8 to %scan3A_10 step %scan3A_11  : i32 {
      %swap3A = arith.index_cast %scan3A_30 : i32 to index
      %swap3A_31 = arith.constant 0 : index
      %swap3A_32 = tpu.vector_load %arg9[%swap3A, %swap3A_31] {strides = array<i32>} : memref<8x16xf32, #tpu.memory_space<vmem>>, vector<1x16xf32>,
      %swap3A_33 = vector.shape_cast %swap3A_32 : vector<1x16xf32> to vector<16xf32>
      %swap3A_34 = vector.shape_cast %broadcast_in_dim3A_7 : vector<16xf32> to vector<1x16xf32>
      tpu.vector_store %arg9[%swap3A, %swap3A_31], %swap3A_34 {strides = array<i32>} : memref<8x16xf32, #tpu.memory_space<vmem>>, vector<1x16xf32>,
    }
    %scan3A_12 = arith.constant 8 : i32
    %scan3A_13 = arith.constant 0 : i32
    %scan3A_14 = arith.constant 0 : i32
    %scan3A_15 = arith.constant 79 : i32
    %scan3A_16 = arith.addi %scan3A_14, %scan3A_15 : i32
    %scan3A_17 = arith.constant 1 : i32
    scf.for %scan3A_30 = %scan3A_14 to %scan3A_16 step %scan3A_17  : i32 {
      %mul3A_31 = arith.constant 632 : i32
      %mul3A_32 = arith.muli %arg1, %mul3A_31 : i32
      %mul3A_33 = arith.constant 8 : i32
      %mul3A_34 = arith.muli %scan3A_30, %mul3A_33 : i32
      %add3A_35 = arith.addi %mul3A_32, %mul3A_34 : i32
      "tpu.region"() ({
        %run_scoped3A = tpu.sem_alloc : memref<!tpu.dma_semaphore, #tpu.memory_space<semaphore_mem>>
        %dma_start3A = arith.constant 0 : i32
        %dma_start3A_36 = tpu.memref_slice %arg10[%add3A_35, %dma_start3A] : memref<10112x16xf32, #tpu.memory_space<vmem_shared>> -> memref<8x16xf32, #tpu.memory_space<vmem_shared>>
        %dma_start3A_37 = arith.constant 0 : i32
        %dma_start3A_38 = tpu.memref_slice %arg10[%add3A_35, %dma_start3A_37] : memref<10112x16xf32, #tpu.memory_space<vmem_shared>> -> memref<8x16xf32, #tpu.memory_space<vmem_shared>>
        tpu.enqueue_dma source(%arg9 : memref<8x16xf32, #tpu.memory_space<vmem>>) target(%dma_start3A_38 : memref<8x16xf32, #tpu.memory_space<vmem_shared>>) target_semaphore(%run_scoped3A : memref<!tpu.dma_semaphore, #tpu.memory_space<semaphore_mem>>)
        %dma_wait3A = arith.constant 0 : i32
        %dma_wait3A_39 = tpu.memref_slice %arg10[%add3A_35, %dma_wait3A] : memref<10112x16xf32, #tpu.memory_space<vmem_shared>> -> memref<8x16xf32, #tpu.memory_space<vmem_shared>>
        %dma_wait3A_40 = arith.constant 0 : i32
        %dma_wait3A_41 = tpu.memref_slice %arg10[%add3A_35, %dma_wait3A_40] : memref<10112x16xf32, #tpu.memory_space<vmem_shared>> -> memref<8x16xf32, #tpu.memory_space<vmem_shared>>
        tpu.wait_dma2 semaphore(%run_scoped3A : memref<!tpu.dma_semaphore, #tpu.memory_space<semaphore_mem>>) src(%arg9 : memref<8x16xf32, #tpu.memory_space<vmem>>) dst(%dma_wait3A_41 : memref<8x16xf32, #tpu.memory_space<vmem_shared>>)
        tpu.yield
      }) : () -> ()
    }
    %scan3A_18 = arith.constant 79 : i32
    %barrier3A = arith.constant 0 : index
    tpu.barrier barrier_id(%barrier3A)
    %scan3A_19 = arith.constant 0 : i32
    %scan3A_20 = arith.constant 0 : i32
    %scan3A_21 = arith.constant 79 : i32
    %scan3A_22 = arith.addi %scan3A_20, %scan3A_21 : i32
    %scan3A_23 = arith.constant 1 : i32
    scf.for %scan3A_30 = %scan3A_20 to %scan3A_22 step %scan3A_23  : i32 {
      "tpu.region"() ({
        %run_scoped3A = tpu.sem_alloc : memref<!tpu.dma_semaphore, #tpu.memory_space<semaphore_mem>>
        %dma_start3A = arith.constant 0 : i32
        %dma_start3A_31 = tpu.memref_slice %arg6[%scan3A_30, %dma_start3A] : memref<79x128xi32, #tpu.memory_space<vmem>> -> memref<1x128xi32, #tpu.memory_space<vmem>>
        %dma_start3A_32 = tpu.memref_squeeze %dma_start3A_31 : memref<1x128xi32, #tpu.memory_space<vmem>> -> memref<128xi32, #tpu.memory_space<vmem>>
        %dma_start3A_33 = arith.constant 0 : i32
        %dma_start3A_34 = arith.constant 0 : i32
        %dma_start3A_35 = tpu.memref_slice %arg11[%dma_start3A_33, %dma_start3A_34] : memref<10000x16xf32, #tpu.memory_space<vmem_shared>> -> memref<10000x16xf32, #tpu.memory_space<vmem_shared>>
        tpu.enqueue_indirect_dma source(%dma_start3A_35 : memref<10000x16xf32, #tpu.memory_space<vmem_shared>>) target(%arg8 : memref<128x16xf32, #tpu.memory_space<vmem>>) offsets(%dma_start3A_32 : memref<128xi32, #tpu.memory_space<vmem>>) semaphore(%run_scoped3A : memref<!tpu.dma_semaphore, #tpu.memory_space<semaphore_mem>>)
        %dma_wait3A = arith.constant 0 : i32
        %dma_wait3A_36 = tpu.memref_slice %arg6[%scan3A_30, %dma_wait3A] : memref<79x128xi32, #tpu.memory_space<vmem>> -> memref<1x128xi32, #tpu.memory_space<vmem>>
        %dma_wait3A_37 = tpu.memref_squeeze %dma_wait3A_36 : memref<1x128xi32, #tpu.memory_space<vmem>> -> memref<128xi32, #tpu.memory_space<vmem>>
        %dma_wait3A_38 = arith.constant 0 : i32
        %dma_wait3A_39 = arith.constant 0 : i32
        %dma_wait3A_40 = tpu.memref_slice %arg11[%dma_wait3A_38, %dma_wait3A_39] : memref<10000x16xf32, #tpu.memory_space<vmem_shared>> -> memref<10000x16xf32, #tpu.memory_space<vmem_shared>>
        tpu.wait_indirect_dma semaphore(%run_scoped3A : memref<!tpu.dma_semaphore, #tpu.memory_space<semaphore_mem>>) src(%dma_wait3A_40 : memref<10000x16xf32, #tpu.memory_space<vmem_shared>>) dst(%arg8 : memref<128x16xf32, #tpu.memory_space<vmem>>)
        tpu.yield
      }) : () -> ()
      "tpu.region"() ({
        %run_scoped3A = tpu.sem_alloc : memref<!tpu.dma_semaphore, #tpu.memory_space<semaphore_mem>>
        %dma_start3A = arith.constant 0 : i32
        %dma_start3A_31 = tpu.memref_slice %arg7[%scan3A_30, %dma_start3A] : memref<79x128xi32, #tpu.memory_space<vmem>> -> memref<1x128xi32, #tpu.memory_space<vmem>>
        %dma_start3A_32 = tpu.memref_squeeze %dma_start3A_31 : memref<1x128xi32, #tpu.memory_space<vmem>> -> memref<128xi32, #tpu.memory_space<vmem>>
        %dma_start3A_33 = arith.constant 0 : i32
        %dma_start3A_34 = arith.constant 0 : i32
        %dma_start3A_35 = tpu.memref_slice %arg10[%dma_start3A_33, %dma_start3A_34] : memref<10112x16xf32, #tpu.memory_space<vmem_shared>> -> memref<10112x16xf32, #tpu.memory_space<vmem_shared>>
        tpu.enqueue_indirect_dma source(%arg8 : memref<128x16xf32, #tpu.memory_space<vmem>>) target(%dma_start3A_35 : memref<10112x16xf32, #tpu.memory_space<vmem_shared>>) offsets(%dma_start3A_32 : memref<128xi32, #tpu.memory_space<vmem>>) semaphore(%run_scoped3A : memref<!tpu.dma_semaphore, #tpu.memory_space<semaphore_mem>>) {add = true}
        %dma_wait3A = arith.constant 0 : i32
        %dma_wait3A_36 = tpu.memref_slice %arg7[%scan3A_30, %dma_wait3A] : memref<79x128xi32, #tpu.memory_space<vmem>> -> memref<1x128xi32, #tpu.memory_space<vmem>>
        %dma_wait3A_37 = tpu.memref_squeeze %dma_wait3A_36 : memref<1x128xi32, #tpu.memory_space<vmem>> -> memref<128xi32, #tpu.memory_space<vmem>>
        %dma_wait3A_38 = arith.constant 0 : i32
        %dma_wait3A_39 = arith.constant 0 : i32
        %dma_wait3A_40 = tpu.memref_slice %arg10[%dma_wait3A_38, %dma_wait3A_39] : memref<10112x16xf32, #tpu.memory_space<vmem_shared>> -> memref<10112x16xf32, #tpu.memory_space<vmem_shared>>
        tpu.wait_indirect_dma semaphore(%run_scoped3A : memref<!tpu.dma_semaphore, #tpu.memory_space<semaphore_mem>>) src(%arg8 : memref<128x16xf32, #tpu.memory_space<vmem>>) dst(%dma_wait3A_40 : memref<10112x16xf32, #tpu.memory_space<vmem_shared>>)
        tpu.yield
      }) : () -> ()
    }
    %scan3A_24 = arith.constant 79 : i32
    %barrier3A_25 = arith.constant 0 : index
    tpu.barrier barrier_id(%barrier3A_25)
    %mul3A_26 = arith.constant 632 : i32
    %mul3A_27 = arith.muli %arg1, %mul3A_26 : i32
    %mul3A_28 = arith.constant 632 : i32
    %mul3A_29 = arith.muli %arg1, %mul3A_28 : i32
    "tpu.region"() ({
      %run_scoped3A = tpu.sem_alloc : memref<!tpu.dma_semaphore, #tpu.memory_space<semaphore_mem>>
      %dma_start3A = arith.constant 0 : i32
      %dma_start3A_30 = tpu.memref_slice %arg5[%arg0, %mul3A_29, %dma_start3A] : memref<2x10112x16xf32, #tpu.memory_space<hbm>> -> memref<1x632x16xf32, #tpu.memory_space<hbm>>
      %dma_start3A_31 = tpu.memref_squeeze %dma_start3A_30 : memref<1x632x16xf32, #tpu.memory_space<hbm>> -> memref<632x16xf32, #tpu.memory_space<hbm>>
      %dma_start3A_32 = arith.constant 0 : i32
      %dma_start3A_33 = tpu.memref_slice %arg10[%mul3A_27, %dma_start3A_32] : memref<10112x16xf32, #tpu.memory_space<vmem_shared>> -> memref<632x16xf32, #tpu.memory_space<vmem_shared>>
      tpu.enqueue_dma source(%dma_start3A_33 : memref<632x16xf32, #tpu.memory_space<vmem_shared>>) target(%dma_start3A_31 : memref<632x16xf32, #tpu.memory_space<hbm>>) target_semaphore(%run_scoped3A : memref<!tpu.dma_semaphore, #tpu.memory_space<semaphore_mem>>)
      %dma_wait3A = arith.constant 0 : i32
      %dma_wait3A_34 = tpu.memref_slice %arg5[%arg0, %mul3A_29, %dma_wait3A] : memref<2x10112x16xf32, #tpu.memory_space<hbm>> -> memref<1x632x16xf32, #tpu.memory_space<hbm>>
      %dma_wait3A_35 = tpu.memref_squeeze %dma_wait3A_34 : memref<1x632x16xf32, #tpu.memory_space<hbm>> -> memref<632x16xf32, #tpu.memory_space<hbm>>
      %dma_wait3A_36 = arith.constant 0 : i32
      %dma_wait3A_37 = tpu.memref_slice %arg10[%mul3A_27, %dma_wait3A_36] : memref<10112x16xf32, #tpu.memory_space<vmem_shared>> -> memref<632x16xf32, #tpu.memory_space<vmem_shared>>
      tpu.wait_dma2 semaphore(%run_scoped3A : memref<!tpu.dma_semaphore, #tpu.memory_space<semaphore_mem>>) src(%dma_wait3A_37 : memref<632x16xf32, #tpu.memory_space<vmem_shared>>) dst(%dma_wait3A_35 : memref<632x16xf32, #tpu.memory_space<hbm>>)
      tpu.yield
    }) : () -> ()
    return
  }
}

#map = affine_map<(d0, d1) -> (0, 0)>
#map1 = affine_map<(d0, d1) -> (0, 0, 0)>
module attributes {stable_mosaic.version = 14 : i64} {
  func.func @_sc_agg(%arg0: i32, %arg1: i32, %arg2: memref<10000x16xf32, #tpu.memory_space<hbm>>, %arg3: memref<32x79x128xi32, #tpu.memory_space<hbm>>, %arg4: memref<32x79x128xi32, #tpu.memory_space<hbm>>, %arg5: memref<2x10112x16xf32, #tpu.memory_space<hbm>>, %arg6: memref<79x128xi32, #tpu.memory_space<vmem>>, %arg7: memref<79x128xi32, #tpu.memory_space<vmem>>, %arg8: memref<128x16xf32, #tpu.memory_space<vmem>>, %arg9: memref<8x16xf32, #tpu.memory_space<vmem>>, %arg10: memref<10112x16xf32, #tpu.memory_space<vmem_shared>>, %arg11: memref<10000x16xf32, #tpu.memory_space<vmem_shared>>) attributes {dimension_semantics = [#tpu.dimension_semantics<core_parallel>, #tpu.dimension_semantics<subcore_parallel>], iteration_bounds = array<i64: 2, 16>, scalar_prefetch = 0 : i64, scratch_operands = 6 : i64, tpu.core_type = #tpu.core_type<sc_vector_subcore>, window_params = [{transform_indices = #map}, {transform_indices = #map1}, {transform_indices = #map1}, {transform_indices = #map1}]} {
    %mul3A = arith.constant 16 : i32
    %mul3A_0 = arith.muli %arg0, %mul3A : i32
    %add3A = arith.addi %mul3A_0, %arg1 : i32
    "tpu.region"() ({
      %run_scoped3A = tpu.sem_alloc : memref<!tpu.dma_semaphore, #tpu.memory_space<semaphore_mem>>
      %dma_start3A = arith.constant 0 : i32
      %dma_start3A_30 = arith.constant 0 : i32
      %dma_start3A_31 = tpu.memref_slice %arg3[%add3A, %dma_start3A, %dma_start3A_30] : memref<32x79x128xi32, #tpu.memory_space<hbm>> -> memref<1x79x128xi32, #tpu.memory_space<hbm>>
      %dma_start3A_32 = tpu.memref_squeeze %dma_start3A_31 : memref<1x79x128xi32, #tpu.memory_space<hbm>> -> memref<79x128xi32, #tpu.memory_space<hbm>>
      %dma_start3A_33 = arith.constant 0 : i32
      %dma_start3A_34 = arith.constant 0 : i32
      %dma_start3A_35 = tpu.memref_slice %arg3[%add3A, %dma_start3A_33, %dma_start3A_34] : memref<32x79x128xi32, #tpu.memory_space<hbm>> -> memref<1x79x128xi32, #tpu.memory_space<hbm>>
      %dma_start3A_36 = tpu.memref_squeeze %dma_start3A_35 : memref<1x79x128xi32, #tpu.memory_space<hbm>> -> memref<79x128xi32, #tpu.memory_space<hbm>>
      tpu.enqueue_dma source(%dma_start3A_36 : memref<79x128xi32, #tpu.memory_space<hbm>>) target(%arg6 : memref<79x128xi32, #tpu.memory_space<vmem>>) target_semaphore(%run_scoped3A : memref<!tpu.dma_semaphore, #tpu.memory_space<semaphore_mem>>)
      %dma_wait3A = arith.constant 0 : i32
      %dma_wait3A_37 = arith.constant 0 : i32
      %dma_wait3A_38 = tpu.memref_slice %arg3[%add3A, %dma_wait3A, %dma_wait3A_37] : memref<32x79x128xi32, #tpu.memory_space<hbm>> -> memref<1x79x128xi32, #tpu.memory_space<hbm>>
      %dma_wait3A_39 = tpu.memref_squeeze %dma_wait3A_38 : memref<1x79x128xi32, #tpu.memory_space<hbm>> -> memref<79x128xi32, #tpu.memory_space<hbm>>
      %dma_wait3A_40 = arith.constant 0 : i32
      %dma_wait3A_41 = arith.constant 0 : i32
      %dma_wait3A_42 = tpu.memref_slice %arg3[%add3A, %dma_wait3A_40, %dma_wait3A_41] : memref<32x79x128xi32, #tpu.memory_space<hbm>> -> memref<1x79x128xi32, #tpu.memory_space<hbm>>
      %dma_wait3A_43 = tpu.memref_squeeze %dma_wait3A_42 : memref<1x79x128xi32, #tpu.memory_space<hbm>> -> memref<79x128xi32, #tpu.memory_space<hbm>>
      tpu.wait_dma2 semaphore(%run_scoped3A : memref<!tpu.dma_semaphore, #tpu.memory_space<semaphore_mem>>) src(%dma_wait3A_43 : memref<79x128xi32, #tpu.memory_space<hbm>>) dst(%arg6 : memref<79x128xi32, #tpu.memory_space<vmem>>)
      tpu.yield
    }) : () -> ()
    "tpu.region"() ({
      %run_scoped3A = tpu.sem_alloc : memref<!tpu.dma_semaphore, #tpu.memory_space<semaphore_mem>>
      %dma_start3A = arith.constant 0 : i32
      %dma_start3A_30 = arith.constant 0 : i32
      %dma_start3A_31 = tpu.memref_slice %arg4[%add3A, %dma_start3A, %dma_start3A_30] : memref<32x79x128xi32, #tpu.memory_space<hbm>> -> memref<1x79x128xi32, #tpu.memory_space<hbm>>
      %dma_start3A_32 = tpu.memref_squeeze %dma_start3A_31 : memref<1x79x128xi32, #tpu.memory_space<hbm>> -> memref<79x128xi32, #tpu.memory_space<hbm>>
      %dma_start3A_33 = arith.constant 0 : i32
      %dma_start3A_34 = arith.constant 0 : i32
      %dma_start3A_35 = tpu.memref_slice %arg4[%add3A, %dma_start3A_33, %dma_start3A_34] : memref<32x79x128xi32, #tpu.memory_space<hbm>> -> memref<1x79x128xi32, #tpu.memory_space<hbm>>
      %dma_start3A_36 = tpu.memref_squeeze %dma_start3A_35 : memref<1x79x128xi32, #tpu.memory_space<hbm>> -> memref<79x128xi32, #tpu.memory_space<hbm>>
      tpu.enqueue_dma source(%dma_start3A_36 : memref<79x128xi32, #tpu.memory_space<hbm>>) target(%arg7 : memref<79x128xi32, #tpu.memory_space<vmem>>) target_semaphore(%run_scoped3A : memref<!tpu.dma_semaphore, #tpu.memory_space<semaphore_mem>>)
      %dma_wait3A = arith.constant 0 : i32
      %dma_wait3A_37 = arith.constant 0 : i32
      %dma_wait3A_38 = tpu.memref_slice %arg4[%add3A, %dma_wait3A, %dma_wait3A_37] : memref<32x79x128xi32, #tpu.memory_space<hbm>> -> memref<1x79x128xi32, #tpu.memory_space<hbm>>
      %dma_wait3A_39 = tpu.memref_squeeze %dma_wait3A_38 : memref<1x79x128xi32, #tpu.memory_space<hbm>> -> memref<79x128xi32, #tpu.memory_space<hbm>>
      %dma_wait3A_40 = arith.constant 0 : i32
      %dma_wait3A_41 = arith.constant 0 : i32
      %dma_wait3A_42 = tpu.memref_slice %arg4[%add3A, %dma_wait3A_40, %dma_wait3A_41] : memref<32x79x128xi32, #tpu.memory_space<hbm>> -> memref<1x79x128xi32, #tpu.memory_space<hbm>>
      %dma_wait3A_43 = tpu.memref_squeeze %dma_wait3A_42 : memref<1x79x128xi32, #tpu.memory_space<hbm>> -> memref<79x128xi32, #tpu.memory_space<hbm>>
      tpu.wait_dma2 semaphore(%run_scoped3A : memref<!tpu.dma_semaphore, #tpu.memory_space<semaphore_mem>>) src(%dma_wait3A_43 : memref<79x128xi32, #tpu.memory_space<hbm>>) dst(%arg7 : memref<79x128xi32, #tpu.memory_space<vmem>>)
      tpu.yield
    }) : () -> ()
    %lt3A = arith.constant 15 : i32
    %lt3A_1 = arith.cmpi slt, %arg1, %lt3A : i32
    %convert_element_type3A = arith.extui %lt3A_1 : i1 to i32
    %cond3A = arith.constant 0 : i32
    %cond3A_2 = arith.cmpi ne, %convert_element_type3A, %cond3A : i32
    scf.if %cond3A_2 {
      %mul3A_30 = arith.constant 632 : i32
      %mul3A_31 = arith.muli %arg1, %mul3A_30 : i32
      %mul3A_32 = arith.constant 632 : i32
      %mul3A_33 = arith.muli %arg1, %mul3A_32 : i32
      "tpu.region"() ({
        %run_scoped3A = tpu.sem_alloc : memref<!tpu.dma_semaphore, #tpu.memory_space<semaphore_mem>>
        %dma_start3A = arith.constant 0 : i32
        %dma_start3A_34 = tpu.memref_slice %arg11[%mul3A_33, %dma_start3A] : memref<10000x16xf32, #tpu.memory_space<vmem_shared>> -> memref<632x16xf32, #tpu.memory_space<vmem_shared>>
        %dma_start3A_35 = arith.constant 0 : i32
        %dma_start3A_36 = tpu.memref_slice %arg2[%mul3A_31, %dma_start3A_35] : memref<10000x16xf32, #tpu.memory_space<hbm>> -> memref<632x16xf32, #tpu.memory_space<hbm>>
        tpu.enqueue_dma source(%dma_start3A_36 : memref<632x16xf32, #tpu.memory_space<hbm>>) target(%dma_start3A_34 : memref<632x16xf32, #tpu.memory_space<vmem_shared>>) target_semaphore(%run_scoped3A : memref<!tpu.dma_semaphore, #tpu.memory_space<semaphore_mem>>)
        %dma_wait3A = arith.constant 0 : i32
        %dma_wait3A_37 = tpu.memref_slice %arg11[%mul3A_33, %dma_wait3A] : memref<10000x16xf32, #tpu.memory_space<vmem_shared>> -> memref<632x16xf32, #tpu.memory_space<vmem_shared>>
        %dma_wait3A_38 = arith.constant 0 : i32
        %dma_wait3A_39 = tpu.memref_slice %arg2[%mul3A_31, %dma_wait3A_38] : memref<10000x16xf32, #tpu.memory_space<hbm>> -> memref<632x16xf32, #tpu.memory_space<hbm>>
        tpu.wait_dma2 semaphore(%run_scoped3A : memref<!tpu.dma_semaphore, #tpu.memory_space<semaphore_mem>>) src(%dma_wait3A_39 : memref<632x16xf32, #tpu.memory_space<hbm>>) dst(%dma_wait3A_37 : memref<632x16xf32, #tpu.memory_space<vmem_shared>>)
        tpu.yield
      }) : () -> ()
    } else {
    }
    %eq3A = arith.constant 15 : i32
    %eq3A_3 = arith.cmpi eq, %arg1, %eq3A : i32
    %convert_element_type3A_4 = arith.extui %eq3A_3 : i1 to i32
    %cond3A_5 = arith.constant 0 : i32
    %cond3A_6 = arith.cmpi ne, %convert_element_type3A_4, %cond3A_5 : i32
    scf.if %cond3A_6 {
      "tpu.region"() ({
        %run_scoped3A = tpu.sem_alloc : memref<!tpu.dma_semaphore, #tpu.memory_space<semaphore_mem>>
        %dma_start3A = arith.constant 9480 : i32
        %dma_start3A_30 = arith.constant 0 : i32
        %dma_start3A_31 = tpu.memref_slice %arg11[%dma_start3A, %dma_start3A_30] : memref<10000x16xf32, #tpu.memory_space<vmem_shared>> -> memref<520x16xf32, #tpu.memory_space<vmem_shared>>
        %dma_start3A_32 = arith.constant 9480 : i32
        %dma_start3A_33 = arith.constant 0 : i32
        %dma_start3A_34 = tpu.memref_slice %arg2[%dma_start3A_32, %dma_start3A_33] : memref<10000x16xf32, #tpu.memory_space<hbm>> -> memref<520x16xf32, #tpu.memory_space<hbm>>
        tpu.enqueue_dma source(%dma_start3A_34 : memref<520x16xf32, #tpu.memory_space<hbm>>) target(%dma_start3A_31 : memref<520x16xf32, #tpu.memory_space<vmem_shared>>) target_semaphore(%run_scoped3A : memref<!tpu.dma_semaphore, #tpu.memory_space<semaphore_mem>>)
        %dma_wait3A = arith.constant 9480 : i32
        %dma_wait3A_35 = arith.constant 0 : i32
        %dma_wait3A_36 = tpu.memref_slice %arg11[%dma_wait3A, %dma_wait3A_35] : memref<10000x16xf32, #tpu.memory_space<vmem_shared>> -> memref<520x16xf32, #tpu.memory_space<vmem_shared>>
        %dma_wait3A_37 = arith.constant 9480 : i32
        %dma_wait3A_38 = arith.constant 0 : i32
        %dma_wait3A_39 = tpu.memref_slice %arg2[%dma_wait3A_37, %dma_wait3A_38] : memref<10000x16xf32, #tpu.memory_space<hbm>> -> memref<520x16xf32, #tpu.memory_space<hbm>>
        tpu.wait_dma2 semaphore(%run_scoped3A : memref<!tpu.dma_semaphore, #tpu.memory_space<semaphore_mem>>) src(%dma_wait3A_39 : memref<520x16xf32, #tpu.memory_space<hbm>>) dst(%dma_wait3A_36 : memref<520x16xf32, #tpu.memory_space<vmem_shared>>)
        tpu.yield
      }) : () -> ()
    } else {
    }
    %broadcast_in_dim3A = arith.constant 0.000000e+00 : f32
    %broadcast_in_dim3A_7 = vector.broadcast %broadcast_in_dim3A : f32 to vector<16xf32>
    %scan3A = arith.constant 0 : i32
    %scan3A_8 = arith.constant 0 : i32
    %scan3A_9 = arith.constant 8 : i32
    %scan3A_10 = arith.addi %scan3A_8, %scan3A_9 : i32
    %scan3A_11 = arith.constant 1 : i32
    scf.for %scan3A_30 = %scan3A_8 to %scan3A_10 step %scan3A_11  : i32 {
      %swap3A = arith.index_cast %scan3A_30 : i32 to index
      %swap3A_31 = arith.constant 0 : index
      %swap3A_32 = tpu.vector_load %arg9[%swap3A, %swap3A_31] {strides = array<i32>} : memref<8x16xf32, #tpu.memory_space<vmem>>, vector<1x16xf32>,
      %swap3A_33 = vector.shape_cast %swap3A_32 : vector<1x16xf32> to vector<16xf32>
      %swap3A_34 = vector.shape_cast %broadcast_in_dim3A_7 : vector<16xf32> to vector<1x16xf32>
      tpu.vector_store %arg9[%swap3A, %swap3A_31], %swap3A_34 {strides = array<i32>} : memref<8x16xf32, #tpu.memory_space<vmem>>, vector<1x16xf32>,
    }
    %scan3A_12 = arith.constant 8 : i32
    %scan3A_13 = arith.constant 0 : i32
    %scan3A_14 = arith.constant 0 : i32
    %scan3A_15 = arith.constant 79 : i32
    %scan3A_16 = arith.addi %scan3A_14, %scan3A_15 : i32
    %scan3A_17 = arith.constant 1 : i32
    scf.for %scan3A_30 = %scan3A_14 to %scan3A_16 step %scan3A_17  : i32 {
      %mul3A_31 = arith.constant 632 : i32
      %mul3A_32 = arith.muli %arg1, %mul3A_31 : i32
      %mul3A_33 = arith.constant 8 : i32
      %mul3A_34 = arith.muli %scan3A_30, %mul3A_33 : i32
      %add3A_35 = arith.addi %mul3A_32, %mul3A_34 : i32
      "tpu.region"() ({
        %run_scoped3A = tpu.sem_alloc : memref<!tpu.dma_semaphore, #tpu.memory_space<semaphore_mem>>
        %dma_start3A = arith.constant 0 : i32
        %dma_start3A_36 = tpu.memref_slice %arg10[%add3A_35, %dma_start3A] : memref<10112x16xf32, #tpu.memory_space<vmem_shared>> -> memref<8x16xf32, #tpu.memory_space<vmem_shared>>
        %dma_start3A_37 = arith.constant 0 : i32
        %dma_start3A_38 = tpu.memref_slice %arg10[%add3A_35, %dma_start3A_37] : memref<10112x16xf32, #tpu.memory_space<vmem_shared>> -> memref<8x16xf32, #tpu.memory_space<vmem_shared>>
        tpu.enqueue_dma source(%arg9 : memref<8x16xf32, #tpu.memory_space<vmem>>) target(%dma_start3A_38 : memref<8x16xf32, #tpu.memory_space<vmem_shared>>) target_semaphore(%run_scoped3A : memref<!tpu.dma_semaphore, #tpu.memory_space<semaphore_mem>>)
        %dma_wait3A = arith.constant 0 : i32
        %dma_wait3A_39 = tpu.memref_slice %arg10[%add3A_35, %dma_wait3A] : memref<10112x16xf32, #tpu.memory_space<vmem_shared>> -> memref<8x16xf32, #tpu.memory_space<vmem_shared>>
        %dma_wait3A_40 = arith.constant 0 : i32
        %dma_wait3A_41 = tpu.memref_slice %arg10[%add3A_35, %dma_wait3A_40] : memref<10112x16xf32, #tpu.memory_space<vmem_shared>> -> memref<8x16xf32, #tpu.memory_space<vmem_shared>>
        tpu.wait_dma2 semaphore(%run_scoped3A : memref<!tpu.dma_semaphore, #tpu.memory_space<semaphore_mem>>) src(%arg9 : memref<8x16xf32, #tpu.memory_space<vmem>>) dst(%dma_wait3A_41 : memref<8x16xf32, #tpu.memory_space<vmem_shared>>)
        tpu.yield
      }) : () -> ()
    }
    %scan3A_18 = arith.constant 79 : i32
    %barrier3A = arith.constant 0 : index
    tpu.barrier barrier_id(%barrier3A)
    %scan3A_19 = arith.constant 0 : i32
    %scan3A_20 = arith.constant 0 : i32
    %scan3A_21 = arith.constant 79 : i32
    %scan3A_22 = arith.addi %scan3A_20, %scan3A_21 : i32
    %scan3A_23 = arith.constant 1 : i32
    scf.for %scan3A_30 = %scan3A_20 to %scan3A_22 step %scan3A_23  : i32 {
      "tpu.region"() ({
        %run_scoped3A = tpu.sem_alloc : memref<!tpu.dma_semaphore, #tpu.memory_space<semaphore_mem>>
        %dma_start3A = arith.constant 0 : i32
        %dma_start3A_31 = tpu.memref_slice %arg6[%scan3A_30, %dma_start3A] : memref<79x128xi32, #tpu.memory_space<vmem>> -> memref<1x128xi32, #tpu.memory_space<vmem>>
        %dma_start3A_32 = tpu.memref_squeeze %dma_start3A_31 : memref<1x128xi32, #tpu.memory_space<vmem>> -> memref<128xi32, #tpu.memory_space<vmem>>
        %dma_start3A_33 = arith.constant 0 : i32
        %dma_start3A_34 = arith.constant 0 : i32
        %dma_start3A_35 = tpu.memref_slice %arg11[%dma_start3A_33, %dma_start3A_34] : memref<10000x16xf32, #tpu.memory_space<vmem_shared>> -> memref<10000x16xf32, #tpu.memory_space<vmem_shared>>
        tpu.enqueue_indirect_dma source(%dma_start3A_35 : memref<10000x16xf32, #tpu.memory_space<vmem_shared>>) target(%arg8 : memref<128x16xf32, #tpu.memory_space<vmem>>) offsets(%dma_start3A_32 : memref<128xi32, #tpu.memory_space<vmem>>) semaphore(%run_scoped3A : memref<!tpu.dma_semaphore, #tpu.memory_space<semaphore_mem>>)
        %dma_wait3A = arith.constant 0 : i32
        %dma_wait3A_36 = tpu.memref_slice %arg6[%scan3A_30, %dma_wait3A] : memref<79x128xi32, #tpu.memory_space<vmem>> -> memref<1x128xi32, #tpu.memory_space<vmem>>
        %dma_wait3A_37 = tpu.memref_squeeze %dma_wait3A_36 : memref<1x128xi32, #tpu.memory_space<vmem>> -> memref<128xi32, #tpu.memory_space<vmem>>
        %dma_wait3A_38 = arith.constant 0 : i32
        %dma_wait3A_39 = arith.constant 0 : i32
        %dma_wait3A_40 = tpu.memref_slice %arg11[%dma_wait3A_38, %dma_wait3A_39] : memref<10000x16xf32, #tpu.memory_space<vmem_shared>> -> memref<10000x16xf32, #tpu.memory_space<vmem_shared>>
        tpu.wait_indirect_dma semaphore(%run_scoped3A : memref<!tpu.dma_semaphore, #tpu.memory_space<semaphore_mem>>) src(%dma_wait3A_40 : memref<10000x16xf32, #tpu.memory_space<vmem_shared>>) dst(%arg8 : memref<128x16xf32, #tpu.memory_space<vmem>>)
        tpu.yield
      }) : () -> ()
      "tpu.region"() ({
        %run_scoped3A = tpu.sem_alloc : memref<!tpu.dma_semaphore, #tpu.memory_space<semaphore_mem>>
        %dma_start3A = arith.constant 0 : i32
        %dma_start3A_31 = tpu.memref_slice %arg7[%scan3A_30, %dma_start3A] : memref<79x128xi32, #tpu.memory_space<vmem>> -> memref<1x128xi32, #tpu.memory_space<vmem>>
        %dma_start3A_32 = tpu.memref_squeeze %dma_start3A_31 : memref<1x128xi32, #tpu.memory_space<vmem>> -> memref<128xi32, #tpu.memory_space<vmem>>
        %dma_start3A_33 = arith.constant 0 : i32
        %dma_start3A_34 = arith.constant 0 : i32
        %dma_start3A_35 = tpu.memref_slice %arg10[%dma_start3A_33, %dma_start3A_34] : memref<10112x16xf32, #tpu.memory_space<vmem_shared>> -> memref<10112x16xf32, #tpu.memory_space<vmem_shared>>
        tpu.enqueue_indirect_dma source(%arg8 : memref<128x16xf32, #tpu.memory_space<vmem>>) target(%dma_start3A_35 : memref<10112x16xf32, #tpu.memory_space<vmem_shared>>) offsets(%dma_start3A_32 : memref<128xi32, #tpu.memory_space<vmem>>) semaphore(%run_scoped3A : memref<!tpu.dma_semaphore, #tpu.memory_space<semaphore_mem>>) {add = true}
        %dma_wait3A = arith.constant 0 : i32
        %dma_wait3A_36 = tpu.memref_slice %arg7[%scan3A_30, %dma_wait3A] : memref<79x128xi32, #tpu.memory_space<vmem>> -> memref<1x128xi32, #tpu.memory_space<vmem>>
        %dma_wait3A_37 = tpu.memref_squeeze %dma_wait3A_36 : memref<1x128xi32, #tpu.memory_space<vmem>> -> memref<128xi32, #tpu.memory_space<vmem>>
        %dma_wait3A_38 = arith.constant 0 : i32
        %dma_wait3A_39 = arith.constant 0 : i32
        %dma_wait3A_40 = tpu.memref_slice %arg10[%dma_wait3A_38, %dma_wait3A_39] : memref<10112x16xf32, #tpu.memory_space<vmem_shared>> -> memref<10112x16xf32, #tpu.memory_space<vmem_shared>>
        tpu.wait_indirect_dma semaphore(%run_scoped3A : memref<!tpu.dma_semaphore, #tpu.memory_space<semaphore_mem>>) src(%arg8 : memref<128x16xf32, #tpu.memory_space<vmem>>) dst(%dma_wait3A_40 : memref<10112x16xf32, #tpu.memory_space<vmem_shared>>)
        tpu.yield
      }) : () -> ()
    }
    %scan3A_24 = arith.constant 79 : i32
    %barrier3A_25 = arith.constant 0 : index
    tpu.barrier barrier_id(%barrier3A_25)
    %mul3A_26 = arith.constant 632 : i32
    %mul3A_27 = arith.muli %arg1, %mul3A_26 : i32
    %mul3A_28 = arith.constant 632 : i32
    %mul3A_29 = arith.muli %arg1, %mul3A_28 : i32
    "tpu.region"() ({
      %run_scoped3A = tpu.sem_alloc : memref<!tpu.dma_semaphore, #tpu.memory_space<semaphore_mem>>
      %dma_start3A = arith.constant 0 : i32
      %dma_start3A_30 = tpu.memref_slice %arg5[%arg0, %mul3A_29, %dma_start3A] : memref<2x10112x16xf32, #tpu.memory_space<hbm>> -> memref<1x632x16xf32, #tpu.memory_space<hbm>>
      %dma_start3A_31 = tpu.memref_squeeze %dma_start3A_30 : memref<1x632x16xf32, #tpu.memory_space<hbm>> -> memref<632x16xf32, #tpu.memory_space<hbm>>
      %dma_start3A_32 = arith.constant 0 : i32
      %dma_start3A_33 = tpu.memref_slice %arg10[%mul3A_27, %dma_start3A_32] : memref<10112x16xf32, #tpu.memory_space<vmem_shared>> -> memref<632x16xf32, #tpu.memory_space<vmem_shared>>
      tpu.enqueue_dma source(%dma_start3A_33 : memref<632x16xf32, #tpu.memory_space<vmem_shared>>) target(%dma_start3A_31 : memref<632x16xf32, #tpu.memory_space<hbm>>) target_semaphore(%run_scoped3A : memref<!tpu.dma_semaphore, #tpu.memory_space<semaphore_mem>>)
      %dma_wait3A = arith.constant 0 : i32
      %dma_wait3A_34 = tpu.memref_slice %arg5[%arg0, %mul3A_29, %dma_wait3A] : memref<2x10112x16xf32, #tpu.memory_space<hbm>> -> memref<1x632x16xf32, #tpu.memory_space<hbm>>
      %dma_wait3A_35 = tpu.memref_squeeze %dma_wait3A_34 : memref<1x632x16xf32, #tpu.memory_space<hbm>> -> memref<632x16xf32, #tpu.memory_space<hbm>>
      %dma_wait3A_36 = arith.constant 0 : i32
      %dma_wait3A_37 = tpu.memref_slice %arg10[%mul3A_27, %dma_wait3A_36] : memref<10112x16xf32, #tpu.memory_space<vmem_shared>> -> memref<632x16xf32, #tpu.memory_space<vmem_shared>>
      tpu.wait_dma2 semaphore(%run_scoped3A : memref<!tpu.dma_semaphore, #tpu.memory_space<semaphore_mem>>) src(%dma_wait3A_37 : memref<632x16xf32, #tpu.memory_space<vmem_shared>>) dst(%dma_wait3A_35 : memref<632x16xf32, #tpu.memory_space<hbm>>)
      tpu.yield
    }) : () -> ()
    return
  }
}

module attributes {stable_mosaic.version = 14 : i64} {
  func.func @_dense2_body(%arg0: i32, %arg1: memref<1000x16xf32, #tpu.memory_space<vmem>>, %arg2: memref<1000x16xf32, #tpu.memory_space<vmem>>, %arg3: memref<1000x16xf32, #tpu.memory_space<vmem>>, %arg4: memref<1000x16xf32, #tpu.memory_space<vmem>>, %arg5: memref<1x16xf32, #tpu.memory_space<vmem>>, %arg6: memref<16x16xf32, #tpu.memory_space<vmem>>, %arg7: memref<1000x16xf32, #tpu.memory_space<vmem>>) attributes {dimension_semantics = [#tpu.dimension_semantics<arbitrary>], iteration_bounds = array<i64: 10>, scalar_prefetch = 0 : i64, scratch_operands = 0 : i64, tpu.core_type = #tpu.core_type<tc>, window_params = [{transform_indices = @transform_0, window_bounds = array<i64: 1000, 16>}, {transform_indices = @transform_1, window_bounds = array<i64: 1000, 16>}, {transform_indices = @transform_2, window_bounds = array<i64: 1000, 16>}, {transform_indices = @transform_3, window_bounds = array<i64: 1000, 16>}, {pipeline_mode = #tpu.pipeline_mode<synchronous>, transform_indices = @transform_4, window_bounds = array<i64: 1, 16>}, {pipeline_mode = #tpu.pipeline_mode<synchronous>, transform_indices = @transform_5, window_bounds = array<i64: 16, 16>}, {transform_indices = @transform_6, window_bounds = array<i64: 1000, 16>}]} {
    %get3A = arith.constant 0 : index
    %get3A_0 = arith.constant 0 : index
    %get3A_1 = vector.load %arg4[%get3A, %get3A_0] : memref<1000x16xf32, #tpu.memory_space<vmem>>, vector<1000x16xf32>
    %get3A_2 = arith.constant 0 : index
    %get3A_3 = arith.constant 0 : index
    %get3A_4 = vector.load %arg1[%get3A_2, %get3A_3] : memref<1000x16xf32, #tpu.memory_space<vmem>>, vector<1000x16xf32>
    %get3A_5 = arith.constant 0 : index
    %get3A_6 = arith.constant 0 : index
    %get3A_7 = vector.load %arg2[%get3A_5, %get3A_6] : memref<1000x16xf32, #tpu.memory_space<vmem>>, vector<1000x16xf32>
    %add3A = arith.addf %get3A_4, %get3A_7 : vector<1000x16xf32>
    %get3A_8 = arith.constant 0 : index
    %get3A_9 = arith.constant 0 : index
    %get3A_10 = vector.load %arg3[%get3A_8, %get3A_9] : memref<1000x16xf32, #tpu.memory_space<vmem>>, vector<1000x16xf32>
    %add3A_11 = arith.addf %add3A, %get3A_10 : vector<1000x16xf32>
    %mul3A = arith.mulf %get3A_1, %add3A_11 : vector<1000x16xf32>
    %get3A_12 = arith.constant 0 : index
    %get3A_13 = arith.constant 0 : index
    %get3A_14 = vector.load %arg5[%get3A_12, %get3A_13] : memref<1x16xf32, #tpu.memory_space<vmem>>, vector<1x16xf32>
    %add3A_15 = vector.broadcast %get3A_14 : vector<1x16xf32> to vector<1000x16xf32>
    %add3A_16 = arith.addf %mul3A, %add3A_15 : vector<1000x16xf32>
    %max3A = arith.constant 0.000000e+00 : f32
    %max3A_17 = vector.broadcast %max3A : f32 to vector<1000x16xf32>
    %max3A_18 = arith.maximumf %add3A_16, %max3A_17 : vector<1000x16xf32>
    %get3A_19 = arith.constant 0 : index
    %get3A_20 = arith.constant 0 : index
    %get3A_21 = vector.load %arg6[%get3A_19, %get3A_20] : memref<16x16xf32, #tpu.memory_space<vmem>>, vector<16x16xf32>
    %dot_general3A = arith.constant dense<0.000000e+00> : vector<1000x16xf32>
    %dot_general3A_22 = tpu.matmul %max3A_18, %get3A_21, %dot_general3A {dimension_numbers = #tpu.dot_dimension_numbers<[1], [0], [0], [1], [0, 0, 1, 1], [], []>, transpose_lhs_hint = false} : vector<1000x16xf32>, vector<16x16xf32>, vector<1000x16xf32> -> vector<1000x16xf32>
    %mul3A_23 = arith.mulf %dot_general3A_22, %get3A_1 : vector<1000x16xf32>
    %swap3A = arith.constant 0 : index
    %swap3A_24 = arith.constant 0 : index
    %swap3A_25 = vector.load %arg7[%swap3A, %swap3A_24] : memref<1000x16xf32, #tpu.memory_space<vmem>>, vector<1000x16xf32>
    tpu.vector_store %arg7[%swap3A, %swap3A_24], %mul3A_23 {strides = array<i32>} : memref<1000x16xf32, #tpu.memory_space<vmem>>, vector<1000x16xf32>,
    return
  }
  func.func @transform_0(%arg0: i32) -> (i32, i32) {
    %c0_i32 = arith.constant 0 : i32
    %c0_i32_0 = arith.constant 0 : i32
    return %arg0, %c0_i32 : i32, i32
  }
  func.func @transform_1(%arg0: i32) -> (i32, i32) {
    %c0_i32 = arith.constant 0 : i32
    %c0_i32_0 = arith.constant 0 : i32
    return %arg0, %c0_i32 : i32, i32
  }
  func.func @transform_2(%arg0: i32) -> (i32, i32) {
    %c0_i32 = arith.constant 0 : i32
    %c0_i32_0 = arith.constant 0 : i32
    return %arg0, %c0_i32 : i32, i32
  }
  func.func @transform_3(%arg0: i32) -> (i32, i32) {
    %c0_i32 = arith.constant 0 : i32
    %c0_i32_0 = arith.constant 0 : i32
    return %arg0, %c0_i32 : i32, i32
  }
  func.func @transform_4(%arg0: i32) -> (i32, i32) {
    %c0_i32 = arith.constant 0 : i32
    %c0_i32_0 = arith.constant 0 : i32
    %c0_i32_1 = arith.constant 0 : i32
    return %c0_i32, %c0_i32_0 : i32, i32
  }
  func.func @transform_5(%arg0: i32) -> (i32, i32) {
    %c0_i32 = arith.constant 0 : i32
    %c0_i32_0 = arith.constant 0 : i32
    %c0_i32_1 = arith.constant 0 : i32
    return %c0_i32, %c0_i32_0 : i32, i32
  }
  func.func @transform_6(%arg0: i32) -> (i32, i32) {
    %c0_i32 = arith.constant 0 : i32
    %c0_i32_0 = arith.constant 0 : i32
    return %arg0, %c0_i32 : i32, i32
  }
}

module attributes {stable_mosaic.version = 14 : i64} {
  func.func @_dense1_body(%arg0: i32, %arg1: memref<1000x16xf32, #tpu.memory_space<vmem>>, %arg2: memref<1000x16xf32, #tpu.memory_space<vmem>>, %arg3: memref<1000x128xf32, #tpu.memory_space<vmem>>, %arg4: memref<128x16xf32, #tpu.memory_space<vmem>>, %arg5: memref<1000x16xf32, #tpu.memory_space<vmem>>, %arg6: memref<1000x16xf32, #tpu.memory_space<vmem>>) attributes {dimension_semantics = [#tpu.dimension_semantics<arbitrary>], iteration_bounds = array<i64: 10>, scalar_prefetch = 0 : i64, scratch_operands = 0 : i64, tpu.core_type = #tpu.core_type<tc>, window_params = [{transform_indices = @transform_0, window_bounds = array<i64: 1000, 16>}, {transform_indices = @transform_1, window_bounds = array<i64: 1000, 16>}, {transform_indices = @transform_2, window_bounds = array<i64: 1000, 128>}, {pipeline_mode = #tpu.pipeline_mode<synchronous>, transform_indices = @transform_3, window_bounds = array<i64: 128, 16>}, {transform_indices = @transform_4, window_bounds = array<i64: 1000, 16>}, {transform_indices = @transform_5, window_bounds = array<i64: 1000, 16>}]} {
    %get3A = arith.constant 0 : index
    %get3A_0 = arith.constant 0 : index
    %get3A_1 = vector.load %arg1[%get3A, %get3A_0] : memref<1000x16xf32, #tpu.memory_space<vmem>>, vector<1000x16xf32>
    %get3A_2 = arith.constant 0 : index
    %get3A_3 = arith.constant 0 : index
    %get3A_4 = vector.load %arg2[%get3A_2, %get3A_3] : memref<1000x16xf32, #tpu.memory_space<vmem>>, vector<1000x16xf32>
    %add3A = arith.addf %get3A_1, %get3A_4 : vector<1000x16xf32>
    %add3A_5 = arith.constant 1.000000e+00 : f32
    %add3A_6 = vector.broadcast %add3A_5 : f32 to vector<1000x16xf32>
    %add3A_7 = arith.addf %add3A, %add3A_6 : vector<1000x16xf32>
    %rsqrt3A = math.rsqrt %add3A_7 : vector<1000x16xf32>
    %swap3A = arith.constant 0 : index
    %swap3A_8 = arith.constant 0 : index
    %swap3A_9 = vector.load %arg6[%swap3A, %swap3A_8] : memref<1000x16xf32, #tpu.memory_space<vmem>>, vector<1000x16xf32>
    tpu.vector_store %arg6[%swap3A, %swap3A_8], %rsqrt3A {strides = array<i32>} : memref<1000x16xf32, #tpu.memory_space<vmem>>, vector<1000x16xf32>,
    %get3A_10 = arith.constant 0 : index
    %get3A_11 = arith.constant 0 : index
    %get3A_12 = vector.load %arg3[%get3A_10, %get3A_11] : memref<1000x128xf32, #tpu.memory_space<vmem>>, vector<1000x128xf32>
    %get3A_13 = arith.constant 0 : index
    %get3A_14 = arith.constant 0 : index
    %get3A_15 = vector.load %arg4[%get3A_13, %get3A_14] : memref<128x16xf32, #tpu.memory_space<vmem>>, vector<128x16xf32>
    %dot_general3A = arith.constant dense<0.000000e+00> : vector<1000x16xf32>
    %dot_general3A_16 = tpu.matmul %get3A_12, %get3A_15, %dot_general3A {dimension_numbers = #tpu.dot_dimension_numbers<[1], [0], [0], [1], [0, 0, 1, 1], [], []>, transpose_lhs_hint = false} : vector<1000x128xf32>, vector<128x16xf32>, vector<1000x16xf32> -> vector<1000x16xf32>
    %mul3A = arith.mulf %dot_general3A_16, %rsqrt3A : vector<1000x16xf32>
    %swap3A_17 = arith.constant 0 : index
    %swap3A_18 = arith.constant 0 : index
    %swap3A_19 = vector.load %arg5[%swap3A_17, %swap3A_18] : memref<1000x16xf32, #tpu.memory_space<vmem>>, vector<1000x16xf32>
    tpu.vector_store %arg5[%swap3A_17, %swap3A_18], %mul3A {strides = array<i32>} : memref<1000x16xf32, #tpu.memory_space<vmem>>, vector<1000x16xf32>,
    return
  }
  func.func @transform_0(%arg0: i32) -> (i32, i32) {
    %c0_i32 = arith.constant 0 : i32
    %c0_i32_0 = arith.constant 0 : i32
    return %arg0, %c0_i32 : i32, i32
  }
  func.func @transform_1(%arg0: i32) -> (i32, i32) {
    %c0_i32 = arith.constant 0 : i32
    %c0_i32_0 = arith.constant 0 : i32
    return %arg0, %c0_i32 : i32, i32
  }
  func.func @transform_2(%arg0: i32) -> (i32, i32) {
    %c0_i32 = arith.constant 0 : i32
    %c0_i32_0 = arith.constant 0 : i32
    return %arg0, %c0_i32 : i32, i32
  }
  func.func @transform_3(%arg0: i32) -> (i32, i32) {
    %c0_i32 = arith.constant 0 : i32
    %c0_i32_0 = arith.constant 0 : i32
    %c0_i32_1 = arith.constant 0 : i32
    return %c0_i32, %c0_i32_0 : i32, i32
  }
  func.func @transform_4(%arg0: i32) -> (i32, i32) {
    %c0_i32 = arith.constant 0 : i32
    %c0_i32_0 = arith.constant 0 : i32
    return %arg0, %c0_i32 : i32, i32
  }
  func.func @transform_5(%arg0: i32) -> (i32, i32) {
    %c0_i32 = arith.constant 0 : i32
    %c0_i32_0 = arith.constant 0 : i32
    return %arg0, %c0_i32 : i32, i32
  }
}

module attributes {stable_mosaic.version = 14 : i64} {
  func.func @_dense3_body(%arg0: i32, %arg1: memref<1000x16xf32, #tpu.memory_space<vmem>>, %arg2: memref<1000x16xf32, #tpu.memory_space<vmem>>, %arg3: memref<1000x16xf32, #tpu.memory_space<vmem>>, %arg4: memref<1000x16xf32, #tpu.memory_space<vmem>>, %arg5: memref<1x16xf32, #tpu.memory_space<vmem>>, %arg6: memref<1000x16xf32, #tpu.memory_space<vmem>>) attributes {dimension_semantics = [#tpu.dimension_semantics<arbitrary>], iteration_bounds = array<i64: 10>, scalar_prefetch = 0 : i64, scratch_operands = 0 : i64, tpu.core_type = #tpu.core_type<tc>, window_params = [{transform_indices = @transform_0, window_bounds = array<i64: 1000, 16>}, {transform_indices = @transform_1, window_bounds = array<i64: 1000, 16>}, {transform_indices = @transform_2, window_bounds = array<i64: 1000, 16>}, {transform_indices = @transform_3, window_bounds = array<i64: 1000, 16>}, {pipeline_mode = #tpu.pipeline_mode<synchronous>, transform_indices = @transform_4, window_bounds = array<i64: 1, 16>}, {transform_indices = @transform_5, window_bounds = array<i64: 1000, 16>}]} {
    %get3A = arith.constant 0 : index
    %get3A_0 = arith.constant 0 : index
    %get3A_1 = vector.load %arg4[%get3A, %get3A_0] : memref<1000x16xf32, #tpu.memory_space<vmem>>, vector<1000x16xf32>
    %get3A_2 = arith.constant 0 : index
    %get3A_3 = arith.constant 0 : index
    %get3A_4 = vector.load %arg1[%get3A_2, %get3A_3] : memref<1000x16xf32, #tpu.memory_space<vmem>>, vector<1000x16xf32>
    %get3A_5 = arith.constant 0 : index
    %get3A_6 = arith.constant 0 : index
    %get3A_7 = vector.load %arg2[%get3A_5, %get3A_6] : memref<1000x16xf32, #tpu.memory_space<vmem>>, vector<1000x16xf32>
    %add3A = arith.addf %get3A_4, %get3A_7 : vector<1000x16xf32>
    %get3A_8 = arith.constant 0 : index
    %get3A_9 = arith.constant 0 : index
    %get3A_10 = vector.load %arg3[%get3A_8, %get3A_9] : memref<1000x16xf32, #tpu.memory_space<vmem>>, vector<1000x16xf32>
    %add3A_11 = arith.addf %add3A, %get3A_10 : vector<1000x16xf32>
    %mul3A = arith.mulf %get3A_1, %add3A_11 : vector<1000x16xf32>
    %get3A_12 = arith.constant 0 : index
    %get3A_13 = arith.constant 0 : index
    %get3A_14 = vector.load %arg5[%get3A_12, %get3A_13] : memref<1x16xf32, #tpu.memory_space<vmem>>, vector<1x16xf32>
    %add3A_15 = vector.broadcast %get3A_14 : vector<1x16xf32> to vector<1000x16xf32>
    %add3A_16 = arith.addf %mul3A, %add3A_15 : vector<1000x16xf32>
    %swap3A = arith.constant 0 : index
    %swap3A_17 = arith.constant 0 : index
    %swap3A_18 = vector.load %arg6[%swap3A, %swap3A_17] : memref<1000x16xf32, #tpu.memory_space<vmem>>, vector<1000x16xf32>
    tpu.vector_store %arg6[%swap3A, %swap3A_17], %add3A_16 {strides = array<i32>} : memref<1000x16xf32, #tpu.memory_space<vmem>>, vector<1000x16xf32>,
    return
  }
  func.func @transform_0(%arg0: i32) -> (i32, i32) {
    %c0_i32 = arith.constant 0 : i32
    %c0_i32_0 = arith.constant 0 : i32
    return %arg0, %c0_i32 : i32, i32
  }
  func.func @transform_1(%arg0: i32) -> (i32, i32) {
    %c0_i32 = arith.constant 0 : i32
    %c0_i32_0 = arith.constant 0 : i32
    return %arg0, %c0_i32 : i32, i32
  }
  func.func @transform_2(%arg0: i32) -> (i32, i32) {
    %c0_i32 = arith.constant 0 : i32
    %c0_i32_0 = arith.constant 0 : i32
    return %arg0, %c0_i32 : i32, i32
  }
  func.func @transform_3(%arg0: i32) -> (i32, i32) {
    %c0_i32 = arith.constant 0 : i32
    %c0_i32_0 = arith.constant 0 : i32
    return %arg0, %c0_i32 : i32, i32
  }
  func.func @transform_4(%arg0: i32) -> (i32, i32) {
    %c0_i32 = arith.constant 0 : i32
    %c0_i32_0 = arith.constant 0 : i32
    %c0_i32_1 = arith.constant 0 : i32
    return %c0_i32, %c0_i32_0 : i32, i32
  }
  func.func @transform_5(%arg0: i32) -> (i32, i32) {
    %c0_i32 = arith.constant 0 : i32
    %c0_i32_0 = arith.constant 0 : i32
    return %arg0, %c0_i32 : i32, i32
  }
}

</mosaic_0001>

<sc_bundles>
// kernel: kernel.11.cloned.1.call-start
scs
__scs_entry_jumppad:
0x0: {  	(pc) =	sbr.rel $0x88, $3  }
0x1: {  	(tag) =	ssettag $0x0;
	lr =	simm.s32 $0x1  }
0x2: {  	[smem:$0x3F9B] =	sst lr;
	_ =	strace $0xD0000000  }
0x3: {  	_ = 	snop  }
0x4: {  	_ = 	snop  }
0x5: {  	_ = 	snop  }
0x6: {  	_ = 	snop  }
0x7: {  	_ = 	snop  }
__scs_overlays_trampoline_lowered:
0x8: {  	[smem:$0x3FAA] =	sst s0  }
0x9: {  	[smem:$0x3FAB] =	sst s1  }
0xa: {  	[smem:$0x3FAC] =	sst s2  }
0xb: {  	[smem:$0x3FAD] =	sst s3  }
0xc: {  	[smem:$0x3FAE] =	sst s4  }
0xd: {  	[smem:$0x3FAF] =	sst s5  }
0xe: {  	[smem:$0x3FB0] =	sst s6  }
0xf: {  	[smem:$0x3FB1] =	sst s7  }
0x10: {  	[smem:$0x3FB2] =	sst s8  }
0x11: {  	[smem:$0x3FB3] =	sst s9;
	s0 =	simm.s32 @!p0 $0x0  }
0x12: {  	s1 =	sld [smem:$0x3F99];
	s0 =	simm.s32 @p0 $0x1  }
0x13: {  	[smem:$0x3FB4] =	sst s0;
	s0 =	simm.s32 @!p1 $0x0  }
0x14: {  	s2 =	sld [smem:$0x3F98];
	s0 =	simm.s32 @p1 $0x1  }
0x15: {  	[smem:$0x3FB5] =	sst s0;
	s0 =	simm.s32 @!p2 $0x0  }
0x16: {  	s3 =	sld [smem:$0x3FDB];
	s0 =	simm.s32 @p2 $0x1  }
0x17: {  	s4 =	simm.s32 $0x1BF5;
	[smem:$0x3FB7] =	sst s0  }
0x18: {  	s0 =	sld [smem:$0x3F9A];
	_ =	swait.ge [sflag:s4], $0x0  }
0x19: {  	s7 =	sld [smem:$0x3F9B]  }
0x1a: {  	s8 =	sadd.s32 $0xFFFFE003, lr  }
0x1b: {  	s9 =	sadd.s32 $0xFFFFFEF7, lr;
	s5 =	simm.s32 $0xFFFFFFFF;
	p2 =	slt.u32 s8, $0xFFFFF086  }
0x1c: {  	p1 =	slt.u32 s9, $0xF7A;
	s5 =	simm.s32 @!p2 $0x0  }
0x1d: {  	s5 =	simm.s32 @p1 $0x1;
	p0 =	seq.s32 s7, s2  }
0x1e: {  	s7 =	smul.u32 @!p0 $0xF7A, s2;
	p2 =	seq.s32 @!p0 s5, $0x0  }
0x1f: {  	s9 =	smul.u32 $0xF7A, s1;
	s8 =	simm.s32 @!p0 $0x1BF5;
	p2 =	por !p2, p0  }
0x20: {  	[sflag:s8] =	ssyncset.s32 @!p0 $0xFFFFF086;
	s6 =	sadd.s32 @!p0 s3, s7;
	s7 =	simm.s32 @!p0 $0x108  }
0x21: {  	s3 =	sadd.s32 s3, s9;
	s6 =	sadd.s32 @!p0 $0x88, s6;
	s7 =	simm.s32 @p2 $0x1082  }
0x22: {  	[simem:s7], [sflag:s8] =	dma.local @!p0 [hbm:s6], $0xF7A  }
0x23: {  	s9 =	sor.u32 $0xD0000000, s2;
	s6 =	simm.s32 $0x108;
	_ =	swait.ge @!p0 [sflag:s8], $0x0  }
0x24: {  	s3 =	sadd.s32 $0x88, s3;
	s6 =	simm.s32 @!p1 $0x1082;
	[sflag:s4] =	ssyncset.s32 $0xFFFFF086  }
0x25: {  	[simem:s6], [sflag:s4] =	dma.local [hbm:s3], $0xF7A  }
0x26: {  	[smem:$0x3F9B] =	sst s1;
	(tag) =	ssettag s2;
	_ =	strace s9  }
0x27: {  	s1 =	sld [smem:$0x3FAB]  }
0x28: {  	s2 =	sld [smem:$0x3FAC]  }
0x29: {  	s4 =	sld [smem:$0x3FAE]  }
0x2a: {  	p0 =	seq.s32 s5, $0x0;
	s5 =	sld [smem:$0x3FAF]  }
0x2b: {  	s6 =	sld [smem:$0x3FB0]  }
0x2c: {  	s7 =	sld [smem:$0x3FB1]  }
0x2d: {  	s3 =	simm.s32 $0x108;
	s8 =	sld [smem:$0x3FB2]  }
0x2e: {  	s3 =	simm.s32 @!p0 $0x1082;
	s9 =	sld [smem:$0x3FB3]  }
0x2f: {  	lr =	sadd.s32 s0, s3;
	s0 =	sld [smem:$0x3FAA]  }
0x30: {  	s3 =	sld [smem:$0x3FAD]  }
0x31: {  	[smem:$0x3FB6] =	sst s10  }
0x32: {  	s10 =	sld [smem:$0x3FB4];
	_ =	sdelay $0x3  }
0x33: {  	p0 =	seq.s32 s10, $0x1;
	s10 =	sld [smem:$0x3FB6];
	_ =	sdelay $0x3  }
0x34: {  	[smem:$0x3FB6] =	sst s10  }
0x35: {  	s10 =	sld [smem:$0x3FB5];
	_ =	sdelay $0x3  }
0x36: {  	p1 =	seq.s32 s10, $0x1;
	s10 =	sld [smem:$0x3FB6];
	_ =	sdelay $0x3  }
0x37: {  	[smem:$0x3FB6] =	sst s10  }
0x38: {  	s10 =	sld [smem:$0x3FB7]  }
0x39: {  	_ = 	snop;
	(pc) =	sbr.ind lr, $3  }
0x3a: {  	_ = 	snop  }
0x3b: {  	_ = 	snop  }
0x3c: {  	p2 =	seq.s32 s10, $0x1;
	s10 =	sld [smem:$0x3FB6]  }
0x3d: {  	_ =	shalt  }
0x3e: {  	_ =	shalt  }
0x3f: {  	_ =	shalt  }
0x40: {  	_ =	shalt  }
0x41: {  	_ =	shalt  }
0x42: {  	_ =	shalt  }
0x43: {  	_ =	shalt  }
0x44: {  	_ =	shalt  }
0x45: {  	_ =	shalt  }
0x46: {  	_ =	shalt  }
0x47: {  	_ =	shalt  }
0x48: {  	_ =	shalt  }
0x49: {  	_ =	shalt  }
0x4a: {  	_ =	shalt  }
0x4b: {  	_ =	shalt  }
0x4c: {  	_ =	shalt  }
0x4d: {  	_ =	shalt  }
0x4e: {  	_ =	shalt  }
0x4f: {  	_ =	shalt  }
0x50: {  	_ =	shalt  }
0x51: {  	_ =	shalt  }
0x52: {  	_ =	shalt  }
0x53: {  	_ =	shalt  }
0x54: {  	_ =	shalt  }
0x55: {  	_ =	shalt  }
0x56: {  	_ =	shalt  }
0x57: {  	_ =	shalt  }
0x58: {  	_ =	shalt  }
0x59: {  	_ =	shalt  }
0x5a: {  	_ =	shalt  }
0x5b: {  	_ =	shalt  }
0x5c: {  	_ =	shalt  }
0x5d: {  	_ =	shalt  }
0x5e: {  	_ =	shalt  }
0x5f: {  	_ =	shalt  }
0x60: {  	_ =	shalt  }
0x61: {  	_ =	shalt  }
0x62: {  	_ =	shalt  }
0x63: {  	_ =	shalt  }
0x64: {  	_ =	shalt  }
0x65: {  	_ =	shalt  }
0x66: {  	_ =	shalt  }
0x67: {  	_ =	shalt  }
0x68: {  	_ =	shalt  }
0x69: {  	_ =	shalt  }
0x6a: {  	_ =	shalt  }
0x6b: {  	_ =	shalt  }
0x6c: {  	_ =	shalt  }
0x6d: {  	_ =	shalt  }
0x6e: {  	_ =	shalt  }
0x6f: {  	_ =	shalt  }
0x70: {  	_ =	shalt  }
0x71: {  	_ =	shalt  }
0x72: {  	_ =	shalt  }
0x73: {  	_ =	shalt  }
0x74: {  	_ =	shalt  }
0x75: {  	_ =	shalt  }
0x76: {  	_ =	shalt  }
0x77: {  	_ =	shalt  }
0x78: {  	_ =	shalt  }
0x79: {  	_ =	shalt  }
0x7a: {  	_ =	shalt  }
0x7b: {  	_ =	shalt  }
0x7c: {  	_ =	shalt  }
0x7d: {  	_ =	shalt  }
0x7e: {  	_ =	shalt  }
0x7f: {  	_ =	shalt  }
0x80: {  	_ =	shalt  }
0x81: {  	_ =	shalt  }
0x82: {  	_ =	shalt  }
0x83: {  	_ =	shalt  }
0x84: {  	_ =	shalt  }
0x85: {  	_ =	shalt  }
0x86: {  	_ =	shalt  }
0x87: {  	_ =	shalt  }
.Lfunc_end0:
.L_simem_size_0:
called_computation.1_lowered:
.L_overlay_start_0:
0x88: {  	s2 =	sld [smem:$0x3FD9]  }
0x89: {  	s3 =	sld [smem:$0x3FFE];
	_ =	sdelay $0x1  }
0x8a: {  	s1 =	srdreg.scid  }
0x8b: {  	s0 =	sand.u32 $0x1, s1  }
0x8c: {  	s16 =	sshll.u32 s0, $0xA;
	s2 =	sadd.s32 s3, s2  }
0x8d: {  	s2 =	sadd.s32 s2, s16  }
0x8e: {  	[smem:$0x3FC2] =	sst s2  }
0x8f: {  	_ = 	snop  }
0x90: {  	(tm) =	ssettm $0x1  }
0x91: {  	s17 =	sld [smem:$0x3FFB];
	_ =	sdelay $0x3  }
0x92: {  	_ =	strace s17  }
0x93: {  	s2 =	sld [smem:$0x3FFC];
	_ =	sdelay $0x3  }
0x94: {  	_ =	strace s2  }
0x95: {  	s2 =	sld [smem:$0x3FFD];
	_ =	sdelay $0x3  }
0x96: {  	_ =	strace s2  }
0x97: {  	_ =	strace $0x8FFFFFFF  }
0x98: {  	s18 =	sld [smem:$0x3FDB];
	_ =	sdelay $0x1  }
0x99: {  	s19 =	simm.s32 $_scs_section_size  }
0x9a: {  	s4 =	simm.s32 $_size__tile_overlayer_lowered;
	s5 =	simm.s32 $_tile_overlayer_lowered  }
0x9b: {  	s22 =	simm.s32 $0x1BFF;
	s21 =	sshll.u32 s5, $0x1;
	s2 =	sadd.s32 s19, s18  }
0x9c: {  	s6 =	simm.s32 $0x0;
	s20 =	sshll.u32 s4, $0x1;
	s4 =	sadd.s32 s21, s2  }
0x9d: {  	[timem:s6], [sflag:s22] =	dma.local [hbm:s4], s20  }
0x9e: {  	_ =	swait.ge [sflag:s22], s20  }
0x9f: {  	s3 =	ssub.s32 $0x0, s20;
	[sflag:s22] =	ssyncset.done $0x0  }
0xa0: {  	[sflag:s22] =	ssyncadd.s32 s3;
	_ =	sdelay $0x1  }
0xa1: {  	s23 =	simm.s32 $0x1B8B  }
0xa2: {  	_ =	swait.ge [sflag:s23], $0x1  }
0xa3: {  	[sflag:s23] =	ssyncset.done $0x0  }
0xa4: {  	s25 =	simm.s32 $0x1B8E;
	s24 =	sld [smem:$0x3FFE];
	[sflag:s23] =	ssyncadd.s32 $0xFFFFFFFF  }
0xa5: {  	s26 =	simm.s32 $execute0_lowered;
	[smem:$0x3FD2] =	sst s25  }
0xa6: {  	s4 =	sshll.u32 s26, $0x1;
	_ =	strace $0x80000049;
	[dreg:$0x1] =	wrdreg $0xFFFFFFFF  }
0xa7: {  	s28 =	simm.s32 $_size_execute0_lowered;
	s2 =	sadd.s32 s2, s4;
	[dreg:$0x0] =	wrdreg $0x0  }
0xa8: {  	s4 =	sshll.u32 s28, $0x1;
	[dreg:$0x2] =	wrdreg s2  }
0xa9: {  	[dreg:$0x3] =	wrdreg s4  }
0xaa: {  	[dreg:$0x4] =	wrdreg $0xC0  }
0xab: {  	_ =	task [dreg:s6], $0x5FFFF  }
0xac: {  	[dreg:$0x1] =	wrdreg $0xFFFFFFFF  }
0xad: {  	[dreg:$0x0] =	wrdreg $0x60  }
0xae: {  	[dreg:$0x2] =	wrdreg s24  }
0xaf: {  	[dreg:$0x3] =	wrdreg $0x94000  }
0xb0: {  	[dreg:$0x4] =	wrdreg $0xBB800  }
0xb1: {  	[dreg:$0x5] =	wrdreg $0x9  }
0xb2: {  	_ =	task.clear_ibuf [dreg:s6], $0x6FFFF;
	_ =	strace $0x90000049  }
0xb3: {  	s29 =	simm.s32 $0x9;
	_ =	strace $0x8000004B  }
0xb4: {  	_ =	swait.ge [sflag:s29], $0x1  }
0xb5: {  	[sflag:s29] =	ssyncadd.s32 $0xFFFFFFFF  }
0xb6: {  	_ =	strace $0x9000004B  }
0xb7: {  	_ =	sfence  }
0xb8: {  	s30 =	sld [smem:$0x0];
	_ =	sdelay $0x2  }
0xb9: {  	s31 =	sshll.u32 s1, $0xD;
	s1 =	sshrl.u32 s1, $0x2  }
0xba: {  	s3 =	sand.u32 $0x4000, s31;
	s1 =	sadd.s32 s1, s30  }
0xbb: {  	s0 =	sor.u32 s3, s0;
	s1 =	sshll.u32 s1, $0x11  }
0xbc: {  	s0 =	sor.u32 s1, s0  }
0xbd: {  	s0 =	sadd.s32 $0x8F2B, s0  }
0xbe: {  	[sflag:s0] =	ssyncadd.remote.s32 $0x1  }
0xbf: {  	_ =	sfence.sel $0xFFFF  }
0xc0: {  	[dreg:$0x0] =	wrdreg $0xFFFFFFFF;
	(pc) =	sbr.abs _section_cstart, $3  }
0xc1: {  	[dreg:$0x1] =	wrdreg $0xFFFFFFFF  }
0xc2: {  	_ =	task.clear_ibuf [dreg:s6], $0x2FFFF;
	_ =	strace $0x9FFFFFFF  }
0xc3: {  	(tm) =	ssettm $0x7FFFFFFF  }
tec
execute0_lowered:
.L_overlay_start_1:
0x0: {  	(tag) =	ssettag $0x1  }
0x1: {  	s8 =	rddreg [dreg:$0x0]  }
0x2: {  	s2 =	rddreg [dreg:$0x1]  }
0x3: {  	s0 =	stileid.u32;
	s1 =	srdreg.scid  }
0x4: {  	s3 =	rddreg [dreg:$0x2];
	s4 =	simm.s32 $0x0;
	s17 =	simm.s32 $0x9000  }
0x5: {  	s18 =	simm.s32 $0x80;
	s19 =	simm.s32 $0x5000;
	s5 =	smul.u32 $0x2780, s0  }
0x6: {  	s6 =	sand.u32 $0x1, s1;
	s1 =	rddreg [dreg:$0x3];
	s10 =	smul.u32 $0x13C00, s0  }
0x7: {  	s22 =	simm.s32 $0x0;
	[smem:$0x7FF] =	sst s4;
	s30 =	smul.u32 $0x4F000, s0  }
0x8: {  	s15 =	sadd.s32 $0x128400, s3;
	p0 =	seq.s32 s0, $0xF;
	s20 =	sshll.u32 s0, $0x6  }
0x9: {  	s7 =	smul.u32 $0x13C000, s6;
	s9 =	sshll.u32 s6, $0x4;
	_ =	strace $0x8000004A  }
0xa: {  	s6 =	ssub.s32 $0x2, s6;
	s20 =	sor.u32 $0x1C01, s20;
	s11 =	sadd.s32 s5, s8  }
0xb: {  	s28 =	sor.u32 s0, s9;
	s29 =	sshrl.u32 s6, $0x1;
	s31 =	sshrl.u32 s30, $0x2  }
0xc: {  	s5 =	smul.u32 $0x500, s28;
	s7 =	sadd.s32 s10, s7;
	s14 =	ssub.s32 s6, s29  }
0xd: {  	s16 =	sadd.s32 s31, s3;
	s9 =	sadd.s32 s31, s2;
	s7 =	sshrl.u32 s7, $0x3  }
0xe: {  	s16 =	sshrl.u32 @!p0 s16, $0x3;
	s21 =	sshrl.u32 s9, $0x3;
	s12 =	sadd.s32 s5, s8  }
0xf: {  	s13 =	sadd.s32 s7, s8;
	s7 =	sadd.s32 $0xC400, s11;
	s8 =	sadd.s32 $0x31480, s8  }
0x10: {  	s11 =	smax.u32 s14, $0x1;
	s14 =	sshrl.u32 @p0 s15, $0x3;
	s15 =	sshll.u32 @!p0 s0, $0x6  }
0x11: {  	s5 =	sadd.s32 $0x5B400, s12;
	s6 =	sadd.s32 $0x2400, s12;
	s10 =	sadd.s32 $0x65400, s13  }
0x12: {  	v0 =	vimm.f32 $0.0e+00;
	s12 =	simm.s32 $0x1;
	s13 =	simm.s32 $0x2800;
	s15 =	sor.u32 @!p0 $0x1C01, s15  }
.LBB2_1:
0x13: {  	[tilespmem:s4], [sflag:$0x1] =	stream.linear.gather [hbm4b:s5+s4], $0x2780, $0x38;
	[tilespmem:$0xE290] =	vst v63  }
0x14: {  	_ =	swait.ge [sflag:s12], $0x2780  }
0x15: {  	[sflag:s12] =	ssyncset.done $0x0  }
0x16: {  	[sflag:s12] =	ssyncadd.s32 $0xFFFFD880  }
0x17: {  	[tilespmem:s13], [sflag:$0x1] =	stream.linear.gather [hbm4b:s6+s4], $0x2780, $0x38;
	[tilespmem:$0xE290] =	vst v63  }
0x18: {  	_ =	swait.ge [sflag:s12], $0x2780  }
0x19: {  	[sflag:s12] =	ssyncset.done $0x0  }
0x1a: {  	s23 =	simm.s32 @p0 $0x1FC1;
	[sflag:s12] =	ssyncadd.s32 $0xFFFFD880  }
0x1b: {  	[spmem:s14], [sflag:s23] =	dma.local @p0 [hbm:s8], $0x2080  }
0x1c: {  	s23 =	simm.s32 @p0 $0x1  }
0x1d: {  	_ =	swait.ge @p0 [sflag:s23], $0x2080  }
0x1e: {  	[sflag:s23] =	ssyncset.done @p0 $0x0  }
0x1f: {  	[sflag:s23] =	ssyncadd.s32 @p0 $0xFFFFDF80;
	s23 =	simm.s32 @!p0 $0x1  }
0x20: {  	[spmem:s16], [sflag:s15] =	dma.local @!p0 [hbm:s7], $0x2780  }
0x21: {  	_ =	swait.ge @!p0 [sflag:s23], $0x2780  }
0x22: {  	[sflag:s23] =	ssyncset.done @!p0 $0x0  }
0x23: {  	[sflag:s23] =	ssyncadd.s32 @!p0 $0xFFFFD880  }
0x24: {  	[tilespmem:$0x9000] =	vst v0  }
0x25: {  	[tilespmem:$0x9080] =	vst v0  }
0x26: {  	[tilespmem:$0x9100] =	vst v0  }
0x27: {  	[tilespmem:$0x9180] =	vst v0  }
0x28: {  	[tilespmem:$0x9200] =	vst v0  }
0x29: {  	[tilespmem:$0x9280] =	vst v0  }
0x2a: {  	[tilespmem:$0x9300] =	vst v0  }
0x2b: {  	s31 =	sadd.s32 $0x0, s9;
	[tilespmem:$0x9380] =	vst v0  }
0x2c: {  	[spmem:s31] =	stream.linear.scatter [tilespmem:s17], [sflag:$0x1], $0x400, $0x38;
	[tilespmem:$0xE290] =	vst v63  }
0x2d: {  	s23 =	simm.s32 $0x1000;
	_ =	swait.ge [sflag:s12], $0x400  }
.LBB2_2:
0x2e: {  	s24 =	sshra.s32 s23, $0x2;
	[sflag:s12] =	ssyncset.done $0x0;
	p1 =	sne.s32 s23, $0x4E000  }
.Ltmp0:
0x2f: {  	s24 =	sadd.s32 s24, s9;
	[sflag:s12] =	ssyncadd.s32 $0xFFFFFC00;
	(pc) =	sbr.rel @p1 .LBB2_2-.Ltmp0, $3  }
0x30: {  	[spmem:s24] =	stream.linear.scatter [tilespmem:s17], [sflag:$0x1], $0x400, $0x38;
	[tilespmem:$0xE290] =	vst v63  }
0x31: {  	s23 =	sadd.s32 $0x1000, s23;
	_ =	sdelay $0x1  }
0x32: {  	_ =	swait.ge [sflag:s12], $0x400  }
0x33: {  	[sflag:s12] =	ssyncset.done $0x0  }
0x34: {  	[sflag:s12] =	ssyncadd.s32 $0xFFFFFC00  }
0x35: {  	s23 =	simm.s32 $0x0;
	[bflag:$0x0] =	sbarrier.arrive $0xFFFF  }
0x36: {  	[tilespmem:s19], [sflag:$0x1] =	stream.indirect.gather [spmem:s3], $0x10, s23, s18, $0xb8;
	[tilespmem:$0xE290] =	vst v63  }
0x37: {  	_ =	swait.ge [sflag:s12], $0x800  }
0x38: {  	[sflag:s12] =	ssyncset.done $0x0  }
0x39: {  	s31 =	simm.s32 $0x2800;
	[sflag:s12] =	ssyncadd.s32 $0xFFFFF800  }
0x3a: {  	[spmem:s2] =	stream.indirect.scatter.add.f32 [tilespmem:s19], [sflag:$0x1], $0x10, s31, s18, $0xb8;
	[tilespmem:$0xE290] =	vst v63  }
0x3b: {  	_ =	swait.ge [sflag:s12], $0x800  }
0x3c: {  	s24 =	simm.s32 $0x400;
	s23 =	simm.s32 $0x200;
	[sflag:s12] =	ssyncset.done $0x0  }
.LBB2_4:
0x3d: {  	s25 =	sshra.s32 s23, $0x2  }
0x3e: {  	[sflag:s12] =	ssyncadd.s32 $0xFFFFF800;
	s23 =	smov.u32 s24;
	s26 =	sadd.s32 $0x200, s24  }
0x3f: {  	[tilespmem:s19], [sflag:$0x1] =	stream.indirect.gather [spmem:s3], $0x10, s25, s18, $0xb8;
	[tilespmem:$0xE290] =	vst v63  }
0x40: {  	p1 =	sne.s32 s24, $0x9C00;
	_ =	swait.ge [sflag:s12], $0x800  }
.Ltmp1:
0x41: {  	[sflag:s12] =	ssyncset.done $0x0;
	(pc) =	sbr.rel @p1 .LBB2_4-.Ltmp1, $4  }
0x42: {  	s24 =	sadd.s32 $0x2800, s25;
	[sflag:s12] =	ssyncadd.s32 $0xFFFFF800  }
0x43: {  	[spmem:s2] =	stream.indirect.scatter.add.f32 [tilespmem:s19], [sflag:$0x1], $0x10, s24, s18, $0xb8;
	[tilespmem:$0xE290] =	vst v63  }
0x44: {  	_ =	swait.ge [sflag:s12], $0x800  }
0x45: {  	s24 =	smov.u32 s26;
	[sflag:s12] =	ssyncset.done $0x0  }
0x46: {  	s23 =	sshra.s32 s23, $0x2;
	[sflag:s12] =	ssyncadd.s32 $0xFFFFF800  }
0x47: {  	[tilespmem:s19], [sflag:$0x1] =	stream.indirect.gather [spmem:s3], $0x10, s23, s18, $0xb8;
	[tilespmem:$0xE290] =	vst v63  }
0x48: {  	_ =	swait.ge [sflag:s12], $0x800  }
0x49: {  	[sflag:s12] =	ssyncset.done $0x0  }
0x4a: {  	s23 =	sadd.s32 $0x2800, s23;
	[sflag:s12] =	ssyncadd.s32 $0xFFFFF800  }
0x4b: {  	[spmem:s2] =	stream.indirect.scatter.add.f32 [tilespmem:s19], [sflag:$0x1], $0x10, s23, s18, $0xb8;
	[tilespmem:$0xE290] =	vst v63  }
0x4c: {  	_ =	swait.ge [sflag:s12], $0x800  }
0x4d: {  	s22 =	sadd.s32 $0x1, s22;
	[sflag:s12] =	ssyncset.done $0x0  }
0x4e: {  	p1 =	sne.s32 s22, s11;
	[sflag:s12] =	ssyncadd.s32 $0xFFFFF800  }
.Ltmp2:
0x4f: {  	[bflag:$0x0] =	sbarrier.arrive $0xFFFF;
	(pc) =	sbr.rel @p1 .LBB2_1-.Ltmp2, $4  }
0x50: {  	[hbm:s10], [sflag:s20] =	dma.local [spmem:s21], $0x2780  }
0x51: {  	_ =	swait.ge [sflag:s12], $0x2780  }
0x52: {  	[sflag:s12] =	ssyncset.done $0x0  }
0x53: {  	[sflag:s12] =	ssyncadd.s32 $0xFFFFD880  }
0x54: {  	_ =	sfence.sel $0x180000  }
0x55: {  	[bflag:$0x0] =	sbarrier.arrive $0xFFFF  }
0x56: {  	p0 =	sne.s32 s0, $0x0;
	_ =	strace $0x9000004A  }
0x57: {  	s0 =	sadd.s32 @!p0 $0x100000, s1;
	[bflag:$0x2] =	sbarrier.arrive $0xFFFF  }
0x58: {  	[sflag:s0] =	ssyncadd.tile.s32 @!p0 $0x1;
	_ =	shalt  }
.Lfunc_end2:
_tile_overlayer_lowered:
.L_overlay_start_2:
0x59: {  	(tag) =	ssettag $0x2  }
0x5a: {  	s0 =	rddreg [dreg:$0x0];
	s2 =	stileid.u32  }
0x5b: {  	s1 =	rddreg [dreg:$0x1];
	p0 =	sne.s32 s2, $0x0  }
0x5c: {  	s3 =	rddreg [dreg:$0x2];
	[bflag:$0x3] =	sbarrier.arrive $0xFFFF;
	s2 =	simm.s32 @!p0 $0x1C01  }
0x5d: {  	[timem:s3], [sflag:s2] =	dma.local @!p0 [hbm:s0], s1  }
0x5e: {  	s0 =	simm.s32 @!p0 $0x1  }
0x5f: {  	_ =	swait.ge @!p0 [sflag:s0], s1  }
0x60: {  	s1 =	ssub.s32 @!p0 $0x0, s1;
	[sflag:s0] =	ssyncset.done @!p0 $0x0  }
0x61: {  	[sflag:s0] =	ssyncadd.s32 @!p0 s1  }
0x62: {  	[bflag:$0x3] =	sbarrier.arrive $0xFFFF  }
0x63: {  	_ =	shalt  }

// kernel: kernel.14.cloned.1.call-start
scs
__scs_entry_jumppad:
0x0: {  	(pc) =	sbr.rel $0x88, $3  }
0x1: {  	(tag) =	ssettag $0x0;
	lr =	simm.s32 $0x1  }
0x2: {  	[smem:$0x3F9B] =	sst lr;
	_ =	strace $0xD0000000  }
0x3: {  	_ = 	snop  }
0x4: {  	_ = 	snop  }
0x5: {  	_ = 	snop  }
0x6: {  	_ = 	snop  }
0x7: {  	_ = 	snop  }
__scs_overlays_trampoline_lowered:
0x8: {  	[smem:$0x3FAA] =	sst s0  }
0x9: {  	[smem:$0x3FAB] =	sst s1  }
0xa: {  	[smem:$0x3FAC] =	sst s2  }
0xb: {  	[smem:$0x3FAD] =	sst s3  }
0xc: {  	[smem:$0x3FAE] =	sst s4  }
0xd: {  	[smem:$0x3FAF] =	sst s5  }
0xe: {  	[smem:$0x3FB0] =	sst s6  }
0xf: {  	[smem:$0x3FB1] =	sst s7  }
0x10: {  	[smem:$0x3FB2] =	sst s8  }
0x11: {  	[smem:$0x3FB3] =	sst s9;
	s0 =	simm.s32 @!p0 $0x0  }
0x12: {  	s1 =	sld [smem:$0x3F99];
	s0 =	simm.s32 @p0 $0x1  }
0x13: {  	[smem:$0x3FB4] =	sst s0;
	s0 =	simm.s32 @!p1 $0x0  }
0x14: {  	s2 =	sld [smem:$0x3F98];
	s0 =	simm.s32 @p1 $0x1  }
0x15: {  	[smem:$0x3FB5] =	sst s0;
	s0 =	simm.s32 @!p2 $0x0  }
0x16: {  	s3 =	sld [smem:$0x3FDB];
	s0 =	simm.s32 @p2 $0x1  }
0x17: {  	s4 =	simm.s32 $0x1BF5;
	[smem:$0x3FB7] =	sst s0  }
0x18: {  	s0 =	sld [smem:$0x3F9A];
	_ =	swait.ge [sflag:s4], $0x0  }
0x19: {  	s7 =	sld [smem:$0x3F9B]  }
0x1a: {  	s8 =	sadd.s32 $0xFFFFE003, lr  }
0x1b: {  	s9 =	sadd.s32 $0xFFFFFEF7, lr;
	s5 =	simm.s32 $0xFFFFFFFF;
	p2 =	slt.u32 s8, $0xFFFFF086  }
0x1c: {  	p1 =	slt.u32 s9, $0xF7A;
	s5 =	simm.s32 @!p2 $0x0  }
0x1d: {  	s5 =	simm.s32 @p1 $0x1;
	p0 =	seq.s32 s7, s2  }
0x1e: {  	s7 =	smul.u32 @!p0 $0xF7A, s2;
	p2 =	seq.s32 @!p0 s5, $0x0  }
0x1f: {  	s9 =	smul.u32 $0xF7A, s1;
	s8 =	simm.s32 @!p0 $0x1BF5;
	p2 =	por !p2, p0  }
0x20: {  	[sflag:s8] =	ssyncset.s32 @!p0 $0xFFFFF086;
	s6 =	sadd.s32 @!p0 s3, s7;
	s7 =	simm.s32 @!p0 $0x108  }
0x21: {  	s3 =	sadd.s32 s3, s9;
	s6 =	sadd.s32 @!p0 $0x88, s6;
	s7 =	simm.s32 @p2 $0x1082  }
0x22: {  	[simem:s7], [sflag:s8] =	dma.local @!p0 [hbm:s6], $0xF7A  }
0x23: {  	s9 =	sor.u32 $0xD0000000, s2;
	s6 =	simm.s32 $0x108;
	_ =	swait.ge @!p0 [sflag:s8], $0x0  }
0x24: {  	s3 =	sadd.s32 $0x88, s3;
	s6 =	simm.s32 @!p1 $0x1082;
	[sflag:s4] =	ssyncset.s32 $0xFFFFF086  }
0x25: {  	[simem:s6], [sflag:s4] =	dma.local [hbm:s3], $0xF7A  }
0x26: {  	[smem:$0x3F9B] =	sst s1;
	(tag) =	ssettag s2;
	_ =	strace s9  }
0x27: {  	s1 =	sld [smem:$0x3FAB]  }
0x28: {  	s2 =	sld [smem:$0x3FAC]  }
0x29: {  	s4 =	sld [smem:$0x3FAE]  }
0x2a: {  	p0 =	seq.s32 s5, $0x0;
	s5 =	sld [smem:$0x3FAF]  }
0x2b: {  	s6 =	sld [smem:$0x3FB0]  }
0x2c: {  	s7 =	sld [smem:$0x3FB1]  }
0x2d: {  	s3 =	simm.s32 $0x108;
	s8 =	sld [smem:$0x3FB2]  }
0x2e: {  	s3 =	simm.s32 @!p0 $0x1082;
	s9 =	sld [smem:$0x3FB3]  }
0x2f: {  	lr =	sadd.s32 s0, s3;
	s0 =	sld [smem:$0x3FAA]  }
0x30: {  	s3 =	sld [smem:$0x3FAD]  }
0x31: {  	[smem:$0x3FB6] =	sst s10  }
0x32: {  	s10 =	sld [smem:$0x3FB4];
	_ =	sdelay $0x3  }
0x33: {  	p0 =	seq.s32 s10, $0x1;
	s10 =	sld [smem:$0x3FB6];
	_ =	sdelay $0x3  }
0x34: {  	[smem:$0x3FB6] =	sst s10  }
0x35: {  	s10 =	sld [smem:$0x3FB5];
	_ =	sdelay $0x3  }
0x36: {  	p1 =	seq.s32 s10, $0x1;
	s10 =	sld [smem:$0x3FB6];
	_ =	sdelay $0x3  }
0x37: {  	[smem:$0x3FB6] =	sst s10  }
0x38: {  	s10 =	sld [smem:$0x3FB7]  }
0x39: {  	_ = 	snop;
	(pc) =	sbr.ind lr, $3  }
0x3a: {  	_ = 	snop  }
0x3b: {  	_ = 	snop  }
0x3c: {  	p2 =	seq.s32 s10, $0x1;
	s10 =	sld [smem:$0x3FB6]  }
0x3d: {  	_ =	shalt  }
0x3e: {  	_ =	shalt  }
0x3f: {  	_ =	shalt  }
0x40: {  	_ =	shalt  }
0x41: {  	_ =	shalt  }
0x42: {  	_ =	shalt  }
0x43: {  	_ =	shalt  }
0x44: {  	_ =	shalt  }
0x45: {  	_ =	shalt  }
0x46: {  	_ =	shalt  }
0x47: {  	_ =	shalt  }
0x48: {  	_ =	shalt  }
0x49: {  	_ =	shalt  }
0x4a: {  	_ =	shalt  }
0x4b: {  	_ =	shalt  }
0x4c: {  	_ =	shalt  }
0x4d: {  	_ =	shalt  }
0x4e: {  	_ =	shalt  }
0x4f: {  	_ =	shalt  }
0x50: {  	_ =	shalt  }
0x51: {  	_ =	shalt  }
0x52: {  	_ =	shalt  }
0x53: {  	_ =	shalt  }
0x54: {  	_ =	shalt  }
0x55: {  	_ =	shalt  }
0x56: {  	_ =	shalt  }
0x57: {  	_ =	shalt  }
0x58: {  	_ =	shalt  }
0x59: {  	_ =	shalt  }
0x5a: {  	_ =	shalt  }
0x5b: {  	_ =	shalt  }
0x5c: {  	_ =	shalt  }
0x5d: {  	_ =	shalt  }
0x5e: {  	_ =	shalt  }
0x5f: {  	_ =	shalt  }
0x60: {  	_ =	shalt  }
0x61: {  	_ =	shalt  }
0x62: {  	_ =	shalt  }
0x63: {  	_ =	shalt  }
0x64: {  	_ =	shalt  }
0x65: {  	_ =	shalt  }
0x66: {  	_ =	shalt  }
0x67: {  	_ =	shalt  }
0x68: {  	_ =	shalt  }
0x69: {  	_ =	shalt  }
0x6a: {  	_ =	shalt  }
0x6b: {  	_ =	shalt  }
0x6c: {  	_ =	shalt  }
0x6d: {  	_ =	shalt  }
0x6e: {  	_ =	shalt  }
0x6f: {  	_ =	shalt  }
0x70: {  	_ =	shalt  }
0x71: {  	_ =	shalt  }
0x72: {  	_ =	shalt  }
0x73: {  	_ =	shalt  }
0x74: {  	_ =	shalt  }
0x75: {  	_ =	shalt  }
0x76: {  	_ =	shalt  }
0x77: {  	_ =	shalt  }
0x78: {  	_ =	shalt  }
0x79: {  	_ =	shalt  }
0x7a: {  	_ =	shalt  }
0x7b: {  	_ =	shalt  }
0x7c: {  	_ =	shalt  }
0x7d: {  	_ =	shalt  }
0x7e: {  	_ =	shalt  }
0x7f: {  	_ =	shalt  }
0x80: {  	_ =	shalt  }
0x81: {  	_ =	shalt  }
0x82: {  	_ =	shalt  }
0x83: {  	_ =	shalt  }
0x84: {  	_ =	shalt  }
0x85: {  	_ =	shalt  }
0x86: {  	_ =	shalt  }
0x87: {  	_ =	shalt  }
.Lfunc_end0:
.L_simem_size_0:
called_computation.2_lowered:
.L_overlay_start_0:
0x88: {  	s2 =	sld [smem:$0x3FD9]  }
0x89: {  	s3 =	sld [smem:$0x3FFE];
	_ =	sdelay $0x1  }
0x8a: {  	s1 =	srdreg.scid  }
0x8b: {  	s0 =	sand.u32 $0x1, s1  }
0x8c: {  	s16 =	sshll.u32 s0, $0xA;
	s2 =	sadd.s32 s3, s2  }
0x8d: {  	s2 =	sadd.s32 s2, s16  }
0x8e: {  	[smem:$0x3FC2] =	sst s2  }
0x8f: {  	_ = 	snop  }
0x90: {  	(tm) =	ssettm $0x1  }
0x91: {  	s17 =	sld [smem:$0x3FFB];
	_ =	sdelay $0x3  }
0x92: {  	_ =	strace s17  }
0x93: {  	s2 =	sld [smem:$0x3FFC];
	_ =	sdelay $0x3  }
0x94: {  	_ =	strace s2  }
0x95: {  	s2 =	sld [smem:$0x3FFD];
	_ =	sdelay $0x3  }
0x96: {  	_ =	strace s2  }
0x97: {  	_ =	strace $0x8FFFFFFF  }
0x98: {  	s18 =	sld [smem:$0x3FDB];
	_ =	sdelay $0x1  }
0x99: {  	s19 =	simm.s32 $_scs_section_size  }
0x9a: {  	s4 =	simm.s32 $_size__tile_overlayer_lowered;
	s5 =	simm.s32 $_tile_overlayer_lowered  }
0x9b: {  	s22 =	simm.s32 $0x1BFF;
	s21 =	sshll.u32 s5, $0x1;
	s2 =	sadd.s32 s19, s18  }
0x9c: {  	s6 =	simm.s32 $0x0;
	s20 =	sshll.u32 s4, $0x1;
	s4 =	sadd.s32 s21, s2  }
0x9d: {  	[timem:s6], [sflag:s22] =	dma.local [hbm:s4], s20  }
0x9e: {  	_ =	swait.ge [sflag:s22], s20  }
0x9f: {  	s3 =	ssub.s32 $0x0, s20;
	[sflag:s22] =	ssyncset.done $0x0  }
0xa0: {  	[sflag:s22] =	ssyncadd.s32 s3;
	_ =	sdelay $0x1  }
0xa1: {  	s23 =	simm.s32 $0x1B8B  }
0xa2: {  	_ =	swait.ge [sflag:s23], $0x1  }
0xa3: {  	[sflag:s23] =	ssyncset.done $0x0  }
0xa4: {  	s25 =	simm.s32 $0x1B8E;
	s24 =	sld [smem:$0x3FFE];
	[sflag:s23] =	ssyncadd.s32 $0xFFFFFFFF  }
0xa5: {  	s26 =	simm.s32 $execute0_lowered;
	[smem:$0x3FD2] =	sst s25  }
0xa6: {  	s4 =	sshll.u32 s26, $0x1;
	_ =	strace $0x8000004C;
	[dreg:$0x1] =	wrdreg $0xFFFFFFFF  }
0xa7: {  	s28 =	simm.s32 $_size_execute0_lowered;
	s2 =	sadd.s32 s2, s4;
	[dreg:$0x0] =	wrdreg $0x0  }
0xa8: {  	s4 =	sshll.u32 s28, $0x1;
	[dreg:$0x2] =	wrdreg s2  }
0xa9: {  	[dreg:$0x3] =	wrdreg s4  }
0xaa: {  	[dreg:$0x4] =	wrdreg $0xC0  }
0xab: {  	_ =	task [dreg:s6], $0x5FFFF  }
0xac: {  	[dreg:$0x1] =	wrdreg $0xFFFFFFFF  }
0xad: {  	[dreg:$0x0] =	wrdreg $0x60  }
0xae: {  	[dreg:$0x2] =	wrdreg s24  }
0xaf: {  	[dreg:$0x3] =	wrdreg $0x94000  }
0xb0: {  	[dreg:$0x4] =	wrdreg $0xBB800  }
0xb1: {  	[dreg:$0x5] =	wrdreg $0x9  }
0xb2: {  	_ =	task.clear_ibuf [dreg:s6], $0x6FFFF;
	_ =	strace $0x9000004C  }
0xb3: {  	s29 =	simm.s32 $0x9;
	_ =	strace $0x8000004E  }
0xb4: {  	_ =	swait.ge [sflag:s29], $0x1  }
0xb5: {  	[sflag:s29] =	ssyncadd.s32 $0xFFFFFFFF  }
0xb6: {  	_ =	strace $0x9000004E  }
0xb7: {  	_ =	sfence  }
0xb8: {  	s30 =	sld [smem:$0x0];
	_ =	sdelay $0x2  }
0xb9: {  	s31 =	sshll.u32 s1, $0xD;
	s1 =	sshrl.u32 s1, $0x2  }
0xba: {  	s3 =	sand.u32 $0x4000, s31;
	s1 =	sadd.s32 s1, s30  }
0xbb: {  	s0 =	sor.u32 s3, s0;
	s1 =	sshll.u32 s1, $0x11  }
0xbc: {  	s0 =	sor.u32 s1, s0  }
0xbd: {  	s0 =	sadd.s32 $0x8F2B, s0  }
0xbe: {  	[sflag:s0] =	ssyncadd.remote.s32 $0x1  }
0xbf: {  	_ =	sfence.sel $0xFFFF  }
0xc0: {  	[dreg:$0x0] =	wrdreg $0xFFFFFFFF;
	(pc) =	sbr.abs _section_cstart, $3  }
0xc1: {  	[dreg:$0x1] =	wrdreg $0xFFFFFFFF  }
0xc2: {  	_ =	task.clear_ibuf [dreg:s6], $0x2FFFF;
	_ =	strace $0x9FFFFFFF  }
0xc3: {  	(tm) =	ssettm $0x7FFFFFFF  }
tec
execute0_lowered:
.L_overlay_start_1:
0x0: {  	(tag) =	ssettag $0x1  }
0x1: {  	s8 =	rddreg [dreg:$0x0]  }
0x2: {  	s2 =	rddreg [dreg:$0x1]  }
0x3: {  	s0 =	stileid.u32;
	s1 =	srdreg.scid  }
0x4: {  	s3 =	rddreg [dreg:$0x2];
	s4 =	simm.s32 $0x0;
	s17 =	simm.s32 $0x9000  }
0x5: {  	s18 =	simm.s32 $0x80;
	s19 =	simm.s32 $0x5000;
	s5 =	smul.u32 $0x2780, s0  }
0x6: {  	s6 =	sand.u32 $0x1, s1;
	s1 =	rddreg [dreg:$0x3];
	s10 =	smul.u32 $0x13C00, s0  }
0x7: {  	s22 =	simm.s32 $0x0;
	[smem:$0x7FF] =	sst s4;
	s30 =	smul.u32 $0x4F000, s0  }
0x8: {  	s15 =	sadd.s32 $0x128400, s3;
	p0 =	seq.s32 s0, $0xF;
	s20 =	sshll.u32 s0, $0x6  }
0x9: {  	s7 =	smul.u32 $0x13C000, s6;
	s9 =	sshll.u32 s6, $0x4;
	_ =	strace $0x8000004D  }
0xa: {  	s6 =	ssub.s32 $0x2, s6;
	s20 =	sor.u32 $0x1C01, s20;
	s11 =	sadd.s32 s5, s8  }
0xb: {  	s28 =	sor.u32 s0, s9;
	s29 =	sshrl.u32 s6, $0x1;
	s31 =	sshrl.u32 s30, $0x2  }
0xc: {  	s5 =	smul.u32 $0x500, s28;
	s7 =	sadd.s32 s10, s7;
	s14 =	ssub.s32 s6, s29  }
0xd: {  	s16 =	sadd.s32 s31, s3;
	s9 =	sadd.s32 s31, s2;
	s7 =	sshrl.u32 s7, $0x3  }
0xe: {  	s16 =	sshrl.u32 @!p0 s16, $0x3;
	s21 =	sshrl.u32 s9, $0x3;
	s12 =	sadd.s32 s5, s8  }
0xf: {  	s13 =	sadd.s32 s7, s8;
	s7 =	sadd.s32 $0xC400, s11;
	s8 =	sadd.s32 $0x31480, s8  }
0x10: {  	s11 =	smax.u32 s14, $0x1;
	s14 =	sshrl.u32 @p0 s15, $0x3;
	s15 =	sshll.u32 @!p0 s0, $0x6  }
0x11: {  	s5 =	sadd.s32 $0x5B400, s12;
	s6 =	sadd.s32 $0x2400, s12;
	s10 =	sadd.s32 $0x65400, s13  }
0x12: {  	v0 =	vimm.f32 $0.0e+00;
	s12 =	simm.s32 $0x1;
	s13 =	simm.s32 $0x2800;
	s15 =	sor.u32 @!p0 $0x1C01, s15  }
.LBB2_1:
0x13: {  	[tilespmem:s4], [sflag:$0x1] =	stream.linear.gather [hbm4b:s5+s4], $0x2780, $0x38;
	[tilespmem:$0xE290] =	vst v63  }
0x14: {  	_ =	swait.ge [sflag:s12], $0x2780  }
0x15: {  	[sflag:s12] =	ssyncset.done $0x0  }
0x16: {  	[sflag:s12] =	ssyncadd.s32 $0xFFFFD880  }
0x17: {  	[tilespmem:s13], [sflag:$0x1] =	stream.linear.gather [hbm4b:s6+s4], $0x2780, $0x38;
	[tilespmem:$0xE290] =	vst v63  }
0x18: {  	_ =	swait.ge [sflag:s12], $0x2780  }
0x19: {  	[sflag:s12] =	ssyncset.done $0x0  }
0x1a: {  	s23 =	simm.s32 @p0 $0x1FC1;
	[sflag:s12] =	ssyncadd.s32 $0xFFFFD880  }
0x1b: {  	[spmem:s14], [sflag:s23] =	dma.local @p0 [hbm:s8], $0x2080  }
0x1c: {  	s23 =	simm.s32 @p0 $0x1  }
0x1d: {  	_ =	swait.ge @p0 [sflag:s23], $0x2080  }
0x1e: {  	[sflag:s23] =	ssyncset.done @p0 $0x0  }
0x1f: {  	[sflag:s23] =	ssyncadd.s32 @p0 $0xFFFFDF80;
	s23 =	simm.s32 @!p0 $0x1  }
0x20: {  	[spmem:s16], [sflag:s15] =	dma.local @!p0 [hbm:s7], $0x2780  }
0x21: {  	_ =	swait.ge @!p0 [sflag:s23], $0x2780  }
0x22: {  	[sflag:s23] =	ssyncset.done @!p0 $0x0  }
0x23: {  	[sflag:s23] =	ssyncadd.s32 @!p0 $0xFFFFD880  }
0x24: {  	[tilespmem:$0x9000] =	vst v0  }
0x25: {  	[tilespmem:$0x9080] =	vst v0  }
0x26: {  	[tilespmem:$0x9100] =	vst v0  }
0x27: {  	[tilespmem:$0x9180] =	vst v0  }
0x28: {  	[tilespmem:$0x9200] =	vst v0  }
0x29: {  	[tilespmem:$0x9280] =	vst v0  }
0x2a: {  	[tilespmem:$0x9300] =	vst v0  }
0x2b: {  	s31 =	sadd.s32 $0x0, s9;
	[tilespmem:$0x9380] =	vst v0  }
0x2c: {  	[spmem:s31] =	stream.linear.scatter [tilespmem:s17], [sflag:$0x1], $0x400, $0x38;
	[tilespmem:$0xE290] =	vst v63  }
0x2d: {  	s23 =	simm.s32 $0x1000;
	_ =	swait.ge [sflag:s12], $0x400  }
.LBB2_2:
0x2e: {  	s24 =	sshra.s32 s23, $0x2;
	[sflag:s12] =	ssyncset.done $0x0;
	p1 =	sne.s32 s23, $0x4E000  }
.Ltmp0:
0x2f: {  	s24 =	sadd.s32 s24, s9;
	[sflag:s12] =	ssyncadd.s32 $0xFFFFFC00;
	(pc) =	sbr.rel @p1 .LBB2_2-.Ltmp0, $3  }
0x30: {  	[spmem:s24] =	stream.linear.scatter [tilespmem:s17], [sflag:$0x1], $0x400, $0x38;
	[tilespmem:$0xE290] =	vst v63  }
0x31: {  	s23 =	sadd.s32 $0x1000, s23;
	_ =	sdelay $0x1  }
0x32: {  	_ =	swait.ge [sflag:s12], $0x400  }
0x33: {  	[sflag:s12] =	ssyncset.done $0x0  }
0x34: {  	[sflag:s12] =	ssyncadd.s32 $0xFFFFFC00  }
0x35: {  	s23 =	simm.s32 $0x0;
	[bflag:$0x0] =	sbarrier.arrive $0xFFFF  }
0x36: {  	[tilespmem:s19], [sflag:$0x1] =	stream.indirect.gather [spmem:s3], $0x10, s23, s18, $0xb8;
	[tilespmem:$0xE290] =	vst v63  }
0x37: {  	_ =	swait.ge [sflag:s12], $0x800  }
0x38: {  	[sflag:s12] =	ssyncset.done $0x0  }
0x39: {  	s31 =	simm.s32 $0x2800;
	[sflag:s12] =	ssyncadd.s32 $0xFFFFF800  }
0x3a: {  	[spmem:s2] =	stream.indirect.scatter.add.f32 [tilespmem:s19], [sflag:$0x1], $0x10, s31, s18, $0xb8;
	[tilespmem:$0xE290] =	vst v63  }
0x3b: {  	_ =	swait.ge [sflag:s12], $0x800  }
0x3c: {  	s24 =	simm.s32 $0x400;
	s23 =	simm.s32 $0x200;
	[sflag:s12] =	ssyncset.done $0x0  }
.LBB2_4:
0x3d: {  	s25 =	sshra.s32 s23, $0x2  }
0x3e: {  	[sflag:s12] =	ssyncadd.s32 $0xFFFFF800;
	s23 =	smov.u32 s24;
	s26 =	sadd.s32 $0x200, s24  }
0x3f: {  	[tilespmem:s19], [sflag:$0x1] =	stream.indirect.gather [spmem:s3], $0x10, s25, s18, $0xb8;
	[tilespmem:$0xE290] =	vst v63  }
0x40: {  	p1 =	sne.s32 s24, $0x9C00;
	_ =	swait.ge [sflag:s12], $0x800  }
.Ltmp1:
0x41: {  	[sflag:s12] =	ssyncset.done $0x0;
	(pc) =	sbr.rel @p1 .LBB2_4-.Ltmp1, $4  }
0x42: {  	s24 =	sadd.s32 $0x2800, s25;
	[sflag:s12] =	ssyncadd.s32 $0xFFFFF800  }
0x43: {  	[spmem:s2] =	stream.indirect.scatter.add.f32 [tilespmem:s19], [sflag:$0x1], $0x10, s24, s18, $0xb8;
	[tilespmem:$0xE290] =	vst v63  }
0x44: {  	_ =	swait.ge [sflag:s12], $0x800  }
0x45: {  	s24 =	smov.u32 s26;
	[sflag:s12] =	ssyncset.done $0x0  }
0x46: {  	s23 =	sshra.s32 s23, $0x2;
	[sflag:s12] =	ssyncadd.s32 $0xFFFFF800  }
0x47: {  	[tilespmem:s19], [sflag:$0x1] =	stream.indirect.gather [spmem:s3], $0x10, s23, s18, $0xb8;
	[tilespmem:$0xE290] =	vst v63  }
0x48: {  	_ =	swait.ge [sflag:s12], $0x800  }
0x49: {  	[sflag:s12] =	ssyncset.done $0x0  }
0x4a: {  	s23 =	sadd.s32 $0x2800, s23;
	[sflag:s12] =	ssyncadd.s32 $0xFFFFF800  }
0x4b: {  	[spmem:s2] =	stream.indirect.scatter.add.f32 [tilespmem:s19], [sflag:$0x1], $0x10, s23, s18, $0xb8;
	[tilespmem:$0xE290] =	vst v63  }
0x4c: {  	_ =	swait.ge [sflag:s12], $0x800  }
0x4d: {  	s22 =	sadd.s32 $0x1, s22;
	[sflag:s12] =	ssyncset.done $0x0  }
0x4e: {  	p1 =	sne.s32 s22, s11;
	[sflag:s12] =	ssyncadd.s32 $0xFFFFF800  }
.Ltmp2:
0x4f: {  	[bflag:$0x0] =	sbarrier.arrive $0xFFFF;
	(pc) =	sbr.rel @p1 .LBB2_1-.Ltmp2, $4  }
0x50: {  	[hbm:s10], [sflag:s20] =	dma.local [spmem:s21], $0x2780  }
0x51: {  	_ =	swait.ge [sflag:s12], $0x2780  }
0x52: {  	[sflag:s12] =	ssyncset.done $0x0  }
0x53: {  	[sflag:s12] =	ssyncadd.s32 $0xFFFFD880  }
0x54: {  	_ =	sfence.sel $0x180000  }
0x55: {  	[bflag:$0x0] =	sbarrier.arrive $0xFFFF  }
0x56: {  	p0 =	sne.s32 s0, $0x0;
	_ =	strace $0x9000004D  }
0x57: {  	s0 =	sadd.s32 @!p0 $0x100000, s1;
	[bflag:$0x2] =	sbarrier.arrive $0xFFFF  }
0x58: {  	[sflag:s0] =	ssyncadd.tile.s32 @!p0 $0x1;
	_ =	shalt  }
.Lfunc_end2:
_tile_overlayer_lowered:
.L_overlay_start_2:
0x59: {  	(tag) =	ssettag $0x2  }
0x5a: {  	s0 =	rddreg [dreg:$0x0];
	s2 =	stileid.u32  }
0x5b: {  	s1 =	rddreg [dreg:$0x1];
	p0 =	sne.s32 s2, $0x0  }
0x5c: {  	s3 =	rddreg [dreg:$0x2];
	[bflag:$0x3] =	sbarrier.arrive $0xFFFF;
	s2 =	simm.s32 @!p0 $0x1C01  }
0x5d: {  	[timem:s3], [sflag:s2] =	dma.local @!p0 [hbm:s0], s1  }
0x5e: {  	s0 =	simm.s32 @!p0 $0x1  }
0x5f: {  	_ =	swait.ge @!p0 [sflag:s0], s1  }
0x60: {  	s1 =	ssub.s32 @!p0 $0x0, s1;
	[sflag:s0] =	ssyncset.done @!p0 $0x0  }
0x61: {  	[sflag:s0] =	ssyncadd.s32 @!p0 s1  }
0x62: {  	[bflag:$0x3] =	sbarrier.arrive $0xFFFF  }
0x63: {  	_ =	shalt  }

// kernel: kernel.8.cloned.1.call-start
scs
__scs_entry_jumppad:
0x0: {  	(pc) =	sbr.rel $0x88, $3  }
0x1: {  	(tag) =	ssettag $0x0;
	lr =	simm.s32 $0x1  }
0x2: {  	[smem:$0x3F9B] =	sst lr;
	_ =	strace $0xD0000000  }
0x3: {  	_ = 	snop  }
0x4: {  	_ = 	snop  }
0x5: {  	_ = 	snop  }
0x6: {  	_ = 	snop  }
0x7: {  	_ = 	snop  }
__scs_overlays_trampoline_lowered:
0x8: {  	[smem:$0x3FAA] =	sst s0  }
0x9: {  	[smem:$0x3FAB] =	sst s1  }
0xa: {  	[smem:$0x3FAC] =	sst s2  }
0xb: {  	[smem:$0x3FAD] =	sst s3  }
0xc: {  	[smem:$0x3FAE] =	sst s4  }
0xd: {  	[smem:$0x3FAF] =	sst s5  }
0xe: {  	[smem:$0x3FB0] =	sst s6  }
0xf: {  	[smem:$0x3FB1] =	sst s7  }
0x10: {  	[smem:$0x3FB2] =	sst s8  }
0x11: {  	[smem:$0x3FB3] =	sst s9;
	s0 =	simm.s32 @!p0 $0x0  }
0x12: {  	s1 =	sld [smem:$0x3F99];
	s0 =	simm.s32 @p0 $0x1  }
0x13: {  	[smem:$0x3FB4] =	sst s0;
	s0 =	simm.s32 @!p1 $0x0  }
0x14: {  	s2 =	sld [smem:$0x3F98];
	s0 =	simm.s32 @p1 $0x1  }
0x15: {  	[smem:$0x3FB5] =	sst s0;
	s0 =	simm.s32 @!p2 $0x0  }
0x16: {  	s3 =	sld [smem:$0x3FDB];
	s0 =	simm.s32 @p2 $0x1  }
0x17: {  	s4 =	simm.s32 $0x1BF5;
	[smem:$0x3FB7] =	sst s0  }
0x18: {  	s0 =	sld [smem:$0x3F9A];
	_ =	swait.ge [sflag:s4], $0x0  }
0x19: {  	s7 =	sld [smem:$0x3F9B]  }
0x1a: {  	s8 =	sadd.s32 $0xFFFFE003, lr  }
0x1b: {  	s9 =	sadd.s32 $0xFFFFFEF7, lr;
	s5 =	simm.s32 $0xFFFFFFFF;
	p2 =	slt.u32 s8, $0xFFFFF086  }
0x1c: {  	p1 =	slt.u32 s9, $0xF7A;
	s5 =	simm.s32 @!p2 $0x0  }
0x1d: {  	s5 =	simm.s32 @p1 $0x1;
	p0 =	seq.s32 s7, s2  }
0x1e: {  	s7 =	smul.u32 @!p0 $0xF7A, s2;
	p2 =	seq.s32 @!p0 s5, $0x0  }
0x1f: {  	s9 =	smul.u32 $0xF7A, s1;
	s8 =	simm.s32 @!p0 $0x1BF5;
	p2 =	por !p2, p0  }
0x20: {  	[sflag:s8] =	ssyncset.s32 @!p0 $0xFFFFF086;
	s6 =	sadd.s32 @!p0 s3, s7;
	s7 =	simm.s32 @!p0 $0x108  }
0x21: {  	s3 =	sadd.s32 s3, s9;
	s6 =	sadd.s32 @!p0 $0x88, s6;
	s7 =	simm.s32 @p2 $0x1082  }
0x22: {  	[simem:s7], [sflag:s8] =	dma.local @!p0 [hbm:s6], $0xF7A  }
0x23: {  	s9 =	sor.u32 $0xD0000000, s2;
	s6 =	simm.s32 $0x108;
	_ =	swait.ge @!p0 [sflag:s8], $0x0  }
0x24: {  	s3 =	sadd.s32 $0x88, s3;
	s6 =	simm.s32 @!p1 $0x1082;
	[sflag:s4] =	ssyncset.s32 $0xFFFFF086  }
0x25: {  	[simem:s6], [sflag:s4] =	dma.local [hbm:s3], $0xF7A  }
0x26: {  	[smem:$0x3F9B] =	sst s1;
	(tag) =	ssettag s2;
	_ =	strace s9  }
0x27: {  	s1 =	sld [smem:$0x3FAB]  }
0x28: {  	s2 =	sld [smem:$0x3FAC]  }
0x29: {  	s4 =	sld [smem:$0x3FAE]  }
0x2a: {  	p0 =	seq.s32 s5, $0x0;
	s5 =	sld [smem:$0x3FAF]  }
0x2b: {  	s6 =	sld [smem:$0x3FB0]  }
0x2c: {  	s7 =	sld [smem:$0x3FB1]  }
0x2d: {  	s3 =	simm.s32 $0x108;
	s8 =	sld [smem:$0x3FB2]  }
0x2e: {  	s3 =	simm.s32 @!p0 $0x1082;
	s9 =	sld [smem:$0x3FB3]  }
0x2f: {  	lr =	sadd.s32 s0, s3;
	s0 =	sld [smem:$0x3FAA]  }
0x30: {  	s3 =	sld [smem:$0x3FAD]  }
0x31: {  	[smem:$0x3FB6] =	sst s10  }
0x32: {  	s10 =	sld [smem:$0x3FB4];
	_ =	sdelay $0x3  }
0x33: {  	p0 =	seq.s32 s10, $0x1;
	s10 =	sld [smem:$0x3FB6];
	_ =	sdelay $0x3  }
0x34: {  	[smem:$0x3FB6] =	sst s10  }
0x35: {  	s10 =	sld [smem:$0x3FB5];
	_ =	sdelay $0x3  }
0x36: {  	p1 =	seq.s32 s10, $0x1;
	s10 =	sld [smem:$0x3FB6];
	_ =	sdelay $0x3  }
0x37: {  	[smem:$0x3FB6] =	sst s10  }
0x38: {  	s10 =	sld [smem:$0x3FB7]  }
0x39: {  	_ = 	snop;
	(pc) =	sbr.ind lr, $3  }
0x3a: {  	_ = 	snop  }
0x3b: {  	_ = 	snop  }
0x3c: {  	p2 =	seq.s32 s10, $0x1;
	s10 =	sld [smem:$0x3FB6]  }
0x3d: {  	_ =	shalt  }
0x3e: {  	_ =	shalt  }
0x3f: {  	_ =	shalt  }
0x40: {  	_ =	shalt  }
0x41: {  	_ =	shalt  }
0x42: {  	_ =	shalt  }
0x43: {  	_ =	shalt  }
0x44: {  	_ =	shalt  }
0x45: {  	_ =	shalt  }
0x46: {  	_ =	shalt  }
0x47: {  	_ =	shalt  }
0x48: {  	_ =	shalt  }
0x49: {  	_ =	shalt  }
0x4a: {  	_ =	shalt  }
0x4b: {  	_ =	shalt  }
0x4c: {  	_ =	shalt  }
0x4d: {  	_ =	shalt  }
0x4e: {  	_ =	shalt  }
0x4f: {  	_ =	shalt  }
0x50: {  	_ =	shalt  }
0x51: {  	_ =	shalt  }
0x52: {  	_ =	shalt  }
0x53: {  	_ =	shalt  }
0x54: {  	_ =	shalt  }
0x55: {  	_ =	shalt  }
0x56: {  	_ =	shalt  }
0x57: {  	_ =	shalt  }
0x58: {  	_ =	shalt  }
0x59: {  	_ =	shalt  }
0x5a: {  	_ =	shalt  }
0x5b: {  	_ =	shalt  }
0x5c: {  	_ =	shalt  }
0x5d: {  	_ =	shalt  }
0x5e: {  	_ =	shalt  }
0x5f: {  	_ =	shalt  }
0x60: {  	_ =	shalt  }
0x61: {  	_ =	shalt  }
0x62: {  	_ =	shalt  }
0x63: {  	_ =	shalt  }
0x64: {  	_ =	shalt  }
0x65: {  	_ =	shalt  }
0x66: {  	_ =	shalt  }
0x67: {  	_ =	shalt  }
0x68: {  	_ =	shalt  }
0x69: {  	_ =	shalt  }
0x6a: {  	_ =	shalt  }
0x6b: {  	_ =	shalt  }
0x6c: {  	_ =	shalt  }
0x6d: {  	_ =	shalt  }
0x6e: {  	_ =	shalt  }
0x6f: {  	_ =	shalt  }
0x70: {  	_ =	shalt  }
0x71: {  	_ =	shalt  }
0x72: {  	_ =	shalt  }
0x73: {  	_ =	shalt  }
0x74: {  	_ =	shalt  }
0x75: {  	_ =	shalt  }
0x76: {  	_ =	shalt  }
0x77: {  	_ =	shalt  }
0x78: {  	_ =	shalt  }
0x79: {  	_ =	shalt  }
0x7a: {  	_ =	shalt  }
0x7b: {  	_ =	shalt  }
0x7c: {  	_ =	shalt  }
0x7d: {  	_ =	shalt  }
0x7e: {  	_ =	shalt  }
0x7f: {  	_ =	shalt  }
0x80: {  	_ =	shalt  }
0x81: {  	_ =	shalt  }
0x82: {  	_ =	shalt  }
0x83: {  	_ =	shalt  }
0x84: {  	_ =	shalt  }
0x85: {  	_ =	shalt  }
0x86: {  	_ =	shalt  }
0x87: {  	_ =	shalt  }
.Lfunc_end0:
.L_simem_size_0:
called_computation_lowered:
.L_overlay_start_0:
0x88: {  	s2 =	sld [smem:$0x3FD9]  }
0x89: {  	s3 =	sld [smem:$0x3FFE];
	_ =	sdelay $0x1  }
0x8a: {  	s1 =	srdreg.scid  }
0x8b: {  	s0 =	sand.u32 $0x1, s1  }
0x8c: {  	s16 =	sshll.u32 s0, $0xA;
	s2 =	sadd.s32 s3, s2  }
0x8d: {  	s2 =	sadd.s32 s2, s16  }
0x8e: {  	[smem:$0x3FC2] =	sst s2  }
0x8f: {  	_ = 	snop  }
0x90: {  	(tm) =	ssettm $0x1  }
0x91: {  	s17 =	sld [smem:$0x3FFB];
	_ =	sdelay $0x3  }
0x92: {  	_ =	strace s17  }
0x93: {  	s2 =	sld [smem:$0x3FFC];
	_ =	sdelay $0x3  }
0x94: {  	_ =	strace s2  }
0x95: {  	s2 =	sld [smem:$0x3FFD];
	_ =	sdelay $0x3  }
0x96: {  	_ =	strace s2  }
0x97: {  	_ =	strace $0x8FFFFFFF  }
0x98: {  	s18 =	sld [smem:$0x3FDB];
	_ =	sdelay $0x1  }
0x99: {  	s19 =	simm.s32 $_scs_section_size  }
0x9a: {  	s4 =	simm.s32 $_size__tile_overlayer_lowered;
	s5 =	simm.s32 $_tile_overlayer_lowered  }
0x9b: {  	s22 =	simm.s32 $0x1BFF;
	s21 =	sshll.u32 s5, $0x1;
	s2 =	sadd.s32 s19, s18  }
0x9c: {  	s6 =	simm.s32 $0x0;
	s20 =	sshll.u32 s4, $0x1;
	s4 =	sadd.s32 s21, s2  }
0x9d: {  	[timem:s6], [sflag:s22] =	dma.local [hbm:s4], s20  }
0x9e: {  	_ =	swait.ge [sflag:s22], s20  }
0x9f: {  	s3 =	ssub.s32 $0x0, s20;
	[sflag:s22] =	ssyncset.done $0x0  }
0xa0: {  	[sflag:s22] =	ssyncadd.s32 s3;
	_ =	sdelay $0x1  }
0xa1: {  	s23 =	simm.s32 $0x1B8B  }
0xa2: {  	_ =	swait.ge [sflag:s23], $0x1  }
0xa3: {  	[sflag:s23] =	ssyncset.done $0x0  }
0xa4: {  	s25 =	simm.s32 $0x1B8E;
	s24 =	sld [smem:$0x3FFE];
	[sflag:s23] =	ssyncadd.s32 $0xFFFFFFFF  }
0xa5: {  	s26 =	simm.s32 $execute0_lowered;
	[smem:$0x3FD2] =	sst s25  }
0xa6: {  	s4 =	sshll.u32 s26, $0x1;
	_ =	strace $0x80000046;
	[dreg:$0x1] =	wrdreg $0xFFFFFFFF  }
0xa7: {  	s28 =	simm.s32 $_size_execute0_lowered;
	s2 =	sadd.s32 s2, s4;
	[dreg:$0x0] =	wrdreg $0x0  }
0xa8: {  	s4 =	sshll.u32 s28, $0x1;
	[dreg:$0x2] =	wrdreg s2  }
0xa9: {  	[dreg:$0x3] =	wrdreg s4  }
0xaa: {  	[dreg:$0x4] =	wrdreg $0xC0  }
0xab: {  	_ =	task [dreg:s6], $0x5FFFF  }
0xac: {  	[dreg:$0x1] =	wrdreg $0xFFFFFFFF  }
0xad: {  	[dreg:$0x0] =	wrdreg $0x60  }
0xae: {  	[dreg:$0x2] =	wrdreg s24  }
0xaf: {  	[dreg:$0x3] =	wrdreg $0x6C000  }
0xb0: {  	[dreg:$0x4] =	wrdreg $0x9  }
0xb1: {  	_ =	task.clear_ibuf [dreg:s6], $0x5FFFF;
	_ =	strace $0x90000046  }
0xb2: {  	s29 =	simm.s32 $0x9;
	_ =	strace $0x80000048  }
0xb3: {  	_ =	swait.ge [sflag:s29], $0x1  }
0xb4: {  	[sflag:s29] =	ssyncadd.s32 $0xFFFFFFFF  }
0xb5: {  	_ =	strace $0x90000048  }
0xb6: {  	_ =	sfence  }
0xb7: {  	s30 =	sld [smem:$0x0];
	_ =	sdelay $0x2  }
0xb8: {  	s31 =	sshll.u32 s1, $0xD;
	s1 =	sshrl.u32 s1, $0x2  }
0xb9: {  	s3 =	sand.u32 $0x4000, s31;
	s1 =	sadd.s32 s1, s30  }
0xba: {  	s0 =	sor.u32 s3, s0;
	s1 =	sshll.u32 s1, $0x11  }
0xbb: {  	s0 =	sor.u32 s1, s0  }
0xbc: {  	s0 =	sadd.s32 $0x8F2B, s0  }
0xbd: {  	[sflag:s0] =	ssyncadd.remote.s32 $0x1  }
0xbe: {  	_ =	sfence.sel $0xFFFF  }
0xbf: {  	[dreg:$0x0] =	wrdreg $0xFFFFFFFF;
	(pc) =	sbr.abs _section_cstart, $3  }
0xc0: {  	[dreg:$0x1] =	wrdreg $0xFFFFFFFF  }
0xc1: {  	_ =	task.clear_ibuf [dreg:s6], $0x2FFFF;
	_ =	strace $0x9FFFFFFF  }
0xc2: {  	(tm) =	ssettm $0x7FFFFFFF  }
0xc3: {  	_ =	shalt  }
tec
execute0_lowered:
.L_overlay_start_1:
0x0: {  	(tag) =	ssettag $0x1  }
0x1: {  	s4 =	rddreg [dreg:$0x0]  }
0x2: {  	s1 =	rddreg [dreg:$0x1]  }
0x3: {  	s2 =	srdreg.scid;
	s0 =	rddreg [dreg:$0x2];
	s3 =	simm.s32 $0x0  }
0x4: {  	s10 =	simm.s32 $0x80;
	s11 =	simm.s32 $0x2800;
	s5 =	sand.u32 $0x1, s2  }
0x5: {  	s14 =	simm.s32 $0x0;
	s2 =	stileid.u32;
	s7 =	smul.u32 $0x13C000, s5  }
0x6: {  	[smem:$0x7FF] =	sst s3;
	s6 =	sshll.u32 s5, $0x4;
	s8 =	smul.u32 $0x13C00, s2  }
0x7: {  	_ =	strace $0x80000047;
	s5 =	ssub.s32 $0x2, s5;
	s30 =	smul.u32 $0x4F000, s2  }
0x8: {  	s12 =	sshll.u32 s2, $0x6;
	s6 =	sor.u32 s2, s6;
	s9 =	sshrl.u32 s5, $0x1  }
0x9: {  	s12 =	sor.u32 $0x1C01, s12;
	s6 =	smul.u32 $0x500, s6;
	s7 =	sadd.s32 s8, s7  }
0xa: {  	s9 =	ssub.s32 s5, s9;
	s31 =	sshrl.u32 s30, $0x2;
	s8 =	simm.s32 $0x1  }
0xb: {  	s7 =	sshrl.u32 s7, $0x3;
	s5 =	sadd.s32 s31, s1;
	s6 =	sadd.s32 s6, s4  }
0xc: {  	s7 =	sadd.s32 s7, s4;
	s13 =	sshrl.u32 s5, $0x3;
	s4 =	sadd.s32 $0x2400, s6  }
0xd: {  	v0 =	vimm.f32 $1.000000000e+00;
	v1 =	vimm.f32 $0.0e+00;
	s6 =	sadd.s32 $0xC400, s7;
	s7 =	smax.u32 s9, $0x1;
	s9 =	simm.s32 $0x6800  }
.LBB2_1:
0xe: {  	[tilespmem:s3], [sflag:$0x1] =	stream.linear.gather [hbm4b:s4+s3], $0x2780, $0x38;
	[tilespmem:$0x9380] =	vst v63  }
0xf: {  	_ =	swait.ge [sflag:s8], $0x2780  }
0x10: {  	[sflag:s8] =	ssyncset.done $0x0  }
0x11: {  	s15 =	simm.s32 $0x200;
	s16 =	simm.s32 $0x0;
	[sflag:s8] =	ssyncadd.s32 $0xFFFFD880  }
.LBB2_2:
0x12: {  	p0 =	sne.s32 s15, $0xFE00;
	[tilespmem:s16+$0x2800] =	vst v0;
	s16 =	smov.u32 s15;
	s15 =	sadd.s32 $0x200, s15  }
.Ltmp0:
0x13: {  	(pc) =	sbr.rel @p0 .LBB2_2-.Ltmp0, $2  }
0x14: {  	_ =	sdelay $0x2  }
0x15: {  	s16 =	sshra.s32 s16, $0x2  }
0x16: {  	[tilespmem:s16+$0x2800] =	vst v0  }
0x17: {  	[tilespmem:$0x6800] =	vst v1  }
0x18: {  	[tilespmem:$0x6880] =	vst v1  }
0x19: {  	[tilespmem:$0x6900] =	vst v1  }
0x1a: {  	[tilespmem:$0x6980] =	vst v1  }
0x1b: {  	[tilespmem:$0x6A00] =	vst v1  }
0x1c: {  	[tilespmem:$0x6A80] =	vst v1  }
0x1d: {  	[tilespmem:$0x6B00] =	vst v1  }
0x1e: {  	s15 =	sadd.s32 $0x0, s5;
	[tilespmem:$0x6B80] =	vst v1  }
0x1f: {  	[spmem:s15] =	stream.linear.scatter [tilespmem:s9], [sflag:$0x1], $0x400, $0x38;
	[tilespmem:$0x9380] =	vst v63  }
0x20: {  	s15 =	simm.s32 $0x1000;
	_ =	swait.ge [sflag:s8], $0x400  }
.LBB2_4:
0x21: {  	s16 =	sshra.s32 s15, $0x2;
	[sflag:s8] =	ssyncset.done $0x0;
	p0 =	sne.s32 s15, $0x4E000  }
.Ltmp1:
0x22: {  	s16 =	sadd.s32 s16, s5;
	[sflag:s8] =	ssyncadd.s32 $0xFFFFFC00;
	(pc) =	sbr.rel @p0 .LBB2_4-.Ltmp1, $3  }
0x23: {  	[spmem:s16] =	stream.linear.scatter [tilespmem:s9], [sflag:$0x1], $0x400, $0x38;
	[tilespmem:$0x9380] =	vst v63  }
0x24: {  	s15 =	sadd.s32 $0x1000, s15;
	_ =	sdelay $0x1  }
0x25: {  	_ =	swait.ge [sflag:s8], $0x400  }
0x26: {  	[sflag:s8] =	ssyncset.done $0x0  }
0x27: {  	[sflag:s8] =	ssyncadd.s32 $0xFFFFFC00  }
0x28: {  	s15 =	simm.s32 $0x0;
	[bflag:$0x0] =	sbarrier.arrive $0xFFFF  }
0x29: {  	[spmem:s1] =	stream.indirect.scatter.add.f32 [tilespmem:s11], [sflag:$0x1], $0x10, s15, s10, $0xb8;
	[tilespmem:$0x9380] =	vst v63  }
0x2a: {  	_ =	swait.ge [sflag:s8], $0x800  }
0x2b: {  	s15 =	simm.s32 $0x200;
	[sflag:s8] =	ssyncset.done $0x0  }
.LBB2_6:
0x2c: {  	s16 =	sshra.s32 s15, $0x2;
	[sflag:s8] =	ssyncadd.s32 $0xFFFFF800;
	p0 =	sne.s32 s15, $0x9C00  }
0x2d: {  	[spmem:s1] =	stream.indirect.scatter.add.f32 [tilespmem:s11], [sflag:$0x1], $0x10, s16, s10, $0xb8;
	[tilespmem:$0x9380] =	vst v63  }
.Ltmp2:
0x2e: {  	_ = 	snop;
	(pc) =	sbr.rel @p0 .LBB2_6-.Ltmp2, $4  }
0x2f: {  	_ = 	snop  }
0x30: {  	s15 =	sadd.s32 $0x200, s15  }
0x31: {  	_ =	swait.ge [sflag:s8], $0x800  }
0x32: {  	[sflag:s8] =	ssyncset.done $0x0  }
0x33: {  	s14 =	sadd.s32 $0x1, s14  }
0x34: {  	[sflag:s8] =	ssyncadd.s32 $0xFFFFF800;
	p0 =	sne.s32 s14, s7  }
.Ltmp3:
0x35: {  	[bflag:$0x0] =	sbarrier.arrive $0xFFFF;
	(pc) =	sbr.rel @p0 .LBB2_1-.Ltmp3, $4  }
0x36: {  	[hbm:s6], [sflag:s12] =	dma.local [spmem:s13], $0x2780  }
0x37: {  	_ =	swait.ge [sflag:s8], $0x2780  }
0x38: {  	[sflag:s8] =	ssyncset.done $0x0  }
0x39: {  	[sflag:s8] =	ssyncadd.s32 $0xFFFFD880  }
0x3a: {  	_ =	sfence.sel $0x180000  }
0x3b: {  	[bflag:$0x0] =	sbarrier.arrive $0xFFFF  }
0x3c: {  	p0 =	sne.s32 s2, $0x0;
	_ =	strace $0x90000047  }
0x3d: {  	s0 =	sadd.s32 @!p0 $0x100000, s0;
	[bflag:$0x2] =	sbarrier.arrive $0xFFFF  }
0x3e: {  	[sflag:s0] =	ssyncadd.tile.s32 @!p0 $0x1;
	_ =	shalt  }
.Lfunc_end2:
_tile_overlayer_lowered:
.L_overlay_start_2:
0x3f: {  	(tag) =	ssettag $0x2  }
0x40: {  	s0 =	rddreg [dreg:$0x0];
	s2 =	stileid.u32  }
0x41: {  	s1 =	rddreg [dreg:$0x1];
	p0 =	sne.s32 s2, $0x0  }
0x42: {  	s3 =	rddreg [dreg:$0x2];
	[bflag:$0x3] =	sbarrier.arrive $0xFFFF;
	s2 =	simm.s32 @!p0 $0x1C01  }
0x43: {  	[timem:s3], [sflag:s2] =	dma.local @!p0 [hbm:s0], s1  }
0x44: {  	s0 =	simm.s32 @!p0 $0x1  }
0x45: {  	_ =	swait.ge @!p0 [sflag:s0], s1  }
0x46: {  	s1 =	ssub.s32 @!p0 $0x0, s1;
	[sflag:s0] =	ssyncset.done @!p0 $0x0  }
0x47: {  	[sflag:s0] =	ssyncadd.s32 @!p0 s1  }
0x48: {  	[bflag:$0x3] =	sbarrier.arrive $0xFFFF  }
0x49: {  	_ =	shalt  }

</sc_bundles>
